<compile_context>
chip_gen: v7x
topology: tpu7x:2x2x1
jax: 0.10.2.dev20260603
libtpu: 0.0.44.dev20260713+nightly
codegen_flags: <defaults>
</compile_context>

<pallas_src>
import functools

import jax
from jax import lax
import jax.numpy as jnp
from jax.experimental import pallas as pl
from jax.experimental.pallas import tpu as pltpu
from jax.experimental.pallas import tpu_sc as plsc

NUM_EMB = 1024
EMB_DIM = 64
BPB = 2
HW = 1024

NC = 2
NS = 16
NW = NC * NS
D_PER_W = EMB_DIM // 2


def _vq_codes_kernel(x_ref, cb_ref, s2_ref, iota_row_ref,
                     codes_ref, loss_ref):
    x_blk = x_ref[...]
    cb = cb_ref[...]
    flat = jnp.transpose(x_blk, (0, 2, 1)).reshape(BPB * HW, EMB_DIM)

    m2 = jax.lax.dot_general(
        flat, cb + cb,
        dimension_numbers=(((1,), (1,)), ((), ())),
        preferred_element_type=jnp.float32,
    )
    s1 = jnp.sum(flat * flat, axis=1, keepdims=True)
    s2 = s2_ref[...]
    d2 = (s1 - m2) + s2

    minv = jnp.min(d2, axis=1, keepdims=True)
    iota_row = iota_row_ref[...]
    codes_f = jnp.min(jnp.where(d2 == minv, iota_row, jnp.float32(NUM_EMB)),
                      axis=1)
    codes_ref[0, 0, :] = codes_f.astype(jnp.int32)

    loss_ref[0, 0, 0] = jnp.sum(minv)


def _sc_gather_kernel(cbt_hbm, codes_hbm, out_hbm, cb_v, codes_v, out_v):
    wid = lax.axis_index("s") * NC + lax.axis_index("c")
    b = wid // 2
    half = wid % 2
    pltpu.sync_copy(codes_hbm.at[b], codes_v)
    pltpu.sync_copy(
        cbt_hbm.at[pl.ds(half * D_PER_W * NUM_EMB, D_PER_W * NUM_EMB)], cb_v)

    def body(j, carry):
        base = jnp.full((16,), j * NUM_EMB, jnp.int32)
        for k in range(HW // 16):
            idx = base + codes_v[pl.ds(k * 16, 16)]
            out_v[pl.ds(j * HW + k * 16, 16)] = plsc.load_gather(cb_v, [idx])
        return carry

    lax.fori_loop(0, D_PER_W, body, 0)
    r0 = (b * EMB_DIM + half * D_PER_W) * HW
    pltpu.sync_copy(out_v, out_hbm.at[pl.ds(r0, D_PER_W * HW)])


@functools.partial(jax.jit, static_argnames=())
def kernel(x, codebook):
    B, D, H, W = x.shape
    hw = H * W
    nsteps = B // BPB
    x3 = x.reshape(B, D, hw)
    s2 = jnp.sum(codebook ** 2, axis=1)[None, :]
    iota_row = jax.lax.iota(jnp.float32, NUM_EMB)[None, :]

    codes3, loss_sum = pl.pallas_call(
        _vq_codes_kernel,
        grid=(nsteps,),
        in_specs=[
            pl.BlockSpec((BPB, D, hw), lambda b: (b, 0, 0)),
            pl.BlockSpec((NUM_EMB, EMB_DIM), lambda b: (0, 0)),
            pl.BlockSpec((1, NUM_EMB), lambda b: (0, 0)),
            pl.BlockSpec((1, NUM_EMB), lambda b: (0, 0)),
        ],
        out_specs=[
            pl.BlockSpec((1, 1, BPB * hw), lambda b: (b, 0, 0)),
            pl.BlockSpec((1, 1, 1), lambda b: (b, 0, 0), memory_space=pltpu.SMEM),
        ],
        out_shape=[
            jax.ShapeDtypeStruct((nsteps, 1, BPB * hw), jnp.int32),
            jax.ShapeDtypeStruct((nsteps, 1, 1), jnp.float32),
        ],
        compiler_params=pltpu.CompilerParams(
            dimension_semantics=("parallel",),
        ),
    )(x3, codebook, s2, iota_row)

    codes2d = codes3.reshape(B, hw)
    cbt = codebook.T.reshape(EMB_DIM * NUM_EMB)

    sc_gather = functools.partial(
        pl.kernel,
        mesh=plsc.VectorSubcoreMesh(core_axis_name="c", subcore_axis_name="s"),
        out_type=jax.ShapeDtypeStruct((B * EMB_DIM * hw,), jnp.float32),
        scratch_types=[
            pltpu.VMEM((D_PER_W * NUM_EMB,), jnp.float32),
            pltpu.VMEM((hw,), jnp.int32),
            pltpu.VMEM((D_PER_W * HW,), jnp.float32),
        ],
        compiler_params=pltpu.CompilerParams(needs_layout_passes=False),
    )(_sc_gather_kernel)
    qflat = sc_gather(cbt, codes2d)

    quantized_x = qflat.reshape(B, D, H, W)
    latent_loss = 2.0 * jnp.sum(loss_sum) / (B * hw * D)
    return quantized_x, codes2d, latent_loss

# --- scband reference (transcript-rebuilt; emitter-appended) ---
"""Pipeline reference for scband-base-vector-quantizer-33775622816146 (READ-ONLY COPY).

The authoritative reference and input builder live on the scoring server;
editing this copy changes nothing except your own understanding.
"""

import jax, jax.numpy as jnp
import numpy as np

NUM_EMBEDDINGS = 1024
EMBEDDING_DIM = 64

def setup_inputs(seed: int = 0) -> dict:
    key = jax.random.key(seed)
    k1, k2 = jax.random.split(key)
    x = jax.random.normal(k1, (16, 64, 32, 32), dtype=jnp.float32)
    # uniform init per BaseVectorQuantizer.init_codebook
    codebook = jax.random.uniform(k2, (NUM_EMBEDDINGS, EMBEDDING_DIM), dtype=jnp.float32,
                                  minval=-1.0 / NUM_EMBEDDINGS, maxval=1.0 / NUM_EMBEDDINGS)
    return {"x": x, "codebook": codebook}

def reference(x, codebook):
    # Canonical VQ forward (the standard concrete implementation of the abstract
    # BaseVectorQuantizer.forward): nearest-neighbor quantization with
    # straight-through estimator and commitment + codebook latent loss.
    B, D, H, W = x.shape
    # B, D, H, W -> B, H*W, D
    z = jnp.transpose(x, (0, 2, 3, 1)).reshape(B, H * W, D)
    flat = z.reshape(-1, D)
    # squared L2 distances to every codebook vector
    d2 = (jnp.sum(flat ** 2, axis=1, keepdims=True)
          - 2.0 * flat @ codebook.T
          + jnp.sum(codebook ** 2, axis=1)[None, :])
    codes = jnp.argmin(d2, axis=1)
    quantized = jnp.take(codebook, codes, axis=0)  # gather from codebook
    qz = quantized.reshape(B, H * W, D)
    # latent loss: codebook loss + commitment loss (beta = 1.0)
    latent_loss = (jnp.mean((qz - jax.lax.stop_gradient(z)) ** 2)
                   + jnp.mean((jax.lax.stop_gradient(qz) - z) ** 2))
    # straight-through estimator
    q_st = z + jax.lax.stop_gradient(qz - z)
    quantized_x = jnp.transpose(q_st.reshape(B, H, W, D), (0, 3, 1, 2))
    detached_codes = jax.lax.stop_gradient(codes.reshape(B, H * W)).astype(jnp.int32)
    return quantized_x, detached_codes, latent_loss

if __name__ == "__main__":
    import jax
    _d = setup_inputs()
    print(jax.jit(kernel)(*tuple(_d.values())))

</pallas_src>

<mosaic_0001>
#map = affine_map<(d0, d1) -> (0)>
#map1 = affine_map<(d0, d1) -> (0, 0)>
module attributes {stable_mosaic.version = 14 : i64} {
  func.func @_sc_gather_kernel(%arg0: i32, %arg1: i32, %arg2: memref<65536xf32, #tpu.memory_space<hbm>>, %arg3: memref<16x1024xi32, #tpu.memory_space<hbm>>, %arg4: memref<1048576xf32, #tpu.memory_space<hbm>>, %arg5: memref<32768xf32, #tpu.memory_space<vmem>>, %arg6: memref<1024xi32, #tpu.memory_space<vmem>>, %arg7: memref<32768xf32, #tpu.memory_space<vmem>>) attributes {dimension_semantics = [#tpu.dimension_semantics<core_parallel>, #tpu.dimension_semantics<subcore_parallel>], iteration_bounds = array<i64: 2, 16>, scalar_prefetch = 0 : i64, scratch_operands = 3 : i64, tpu.core_type = #tpu.core_type<sc_vector_subcore>, window_params = [{transform_indices = #map}, {transform_indices = #map1}, {transform_indices = #map}]} {
    %mul3A = arith.constant 2 : i32
    %mul3A_0 = arith.muli %arg1, %mul3A : i32
    %add3A = arith.addi %mul3A_0, %arg0 : i32
    %jit3A = arith.constant 2 : i32
    %div3A = arith.divsi %add3A, %jit3A : i32
    %sign3A = arith.constant 0 : i32
    %sign3A_1 = arith.cmpi sgt, %add3A, %sign3A : i32
    %sign3A_2 = arith.extui %sign3A_1 : i1 to i32
    %sign3A_3 = arith.constant 0 : i32
    %sign3A_4 = arith.cmpi slt, %add3A, %sign3A_3 : i32
    %sign3A_5 = arith.extui %sign3A_4 : i1 to i32
    %sign3A_6 = arith.subi %sign3A_2, %sign3A_5 : i32
    %sign3A_7 = arith.constant 0 : i32
    %sign3A_8 = arith.cmpi sgt, %jit3A, %sign3A_7 : i32
    %sign3A_9 = arith.extui %sign3A_8 : i1 to i32
    %sign3A_10 = arith.constant 0 : i32
    %sign3A_11 = arith.cmpi slt, %jit3A, %sign3A_10 : i32
    %sign3A_12 = arith.extui %sign3A_11 : i1 to i32
    %sign3A_13 = arith.subi %sign3A_9, %sign3A_12 : i32
    %ne3A = arith.cmpi ne, %sign3A_6, %sign3A_13 : i32
    %rem3A = arith.remsi %add3A, %jit3A : i32
    %ne3A_14 = arith.constant 0 : i32
    %ne3A_15 = arith.cmpi ne, %rem3A, %ne3A_14 : i32
    %and3A = arith.andi %ne3A, %ne3A_15 : i1
    %sub3A = arith.constant 1 : i32
    %sub3A_16 = arith.subi %div3A, %sub3A : i32
    %select_n3A = arith.select %and3A, %sub3A_16, %div3A : i32
    %jit3A_17 = arith.constant 2 : i32
    %eq3A = arith.constant 0 : i32
    %eq3A_18 = arith.cmpi eq, %jit3A_17, %eq3A : i32
    %jit3A_19 = arith.constant 1 : i32
    %select_n3A_20 = arith.select %eq3A_18, %jit3A_19, %jit3A_17 : i32
    %rem3A_21 = arith.remsi %add3A, %select_n3A_20 : i32
    %ne3A_22 = arith.constant 0 : i32
    %ne3A_23 = arith.cmpi ne, %rem3A_21, %ne3A_22 : i32
    %lt3A = arith.constant 0 : i32
    %lt3A_24 = arith.cmpi slt, %rem3A_21, %lt3A : i32
    %lt3A_25 = arith.constant 0 : i32
    %lt3A_26 = arith.cmpi slt, %select_n3A_20, %lt3A_25 : i32
    %ne3A_27 = arith.xori %lt3A_24, %lt3A_26 : i1
    %and3A_28 = arith.andi %ne3A_27, %ne3A_23 : i1
    %add3A_29 = arith.addi %rem3A_21, %select_n3A_20 : i32
    %select_n3A_30 = arith.select %and3A_28, %add3A_29, %rem3A_21 : i32
    "tpu.region"() ({
      %run_scoped3A = tpu.sem_alloc : memref<!tpu.dma_semaphore, #tpu.memory_space<semaphore_mem>>
      %dma_start3A = arith.constant 0 : i32
      %dma_start3A_47 = tpu.memref_slice %arg3[%select_n3A, %dma_start3A] : memref<16x1024xi32, #tpu.memory_space<hbm>> -> memref<1x1024xi32, #tpu.memory_space<hbm>>
      %dma_start3A_48 = tpu.memref_squeeze %dma_start3A_47 : memref<1x1024xi32, #tpu.memory_space<hbm>> -> memref<1024xi32, #tpu.memory_space<hbm>>
      %dma_start3A_49 = arith.constant 0 : i32
      %dma_start3A_50 = tpu.memref_slice %arg3[%select_n3A, %dma_start3A_49] : memref<16x1024xi32, #tpu.memory_space<hbm>> -> memref<1x1024xi32, #tpu.memory_space<hbm>>
      %dma_start3A_51 = tpu.memref_squeeze %dma_start3A_50 : memref<1x1024xi32, #tpu.memory_space<hbm>> -> memref<1024xi32, #tpu.memory_space<hbm>>
      tpu.enqueue_dma source(%dma_start3A_51 : memref<1024xi32, #tpu.memory_space<hbm>>) target(%arg6 : memref<1024xi32, #tpu.memory_space<vmem>>) target_semaphore(%run_scoped3A : memref<!tpu.dma_semaphore, #tpu.memory_space<semaphore_mem>>)
      %dma_wait3A = arith.constant 0 : i32
      %dma_wait3A_52 = tpu.memref_slice %arg3[%select_n3A, %dma_wait3A] : memref<16x1024xi32, #tpu.memory_space<hbm>> -> memref<1x1024xi32, #tpu.memory_space<hbm>>
      %dma_wait3A_53 = tpu.memref_squeeze %dma_wait3A_52 : memref<1x1024xi32, #tpu.memory_space<hbm>> -> memref<1024xi32, #tpu.memory_space<hbm>>
      %dma_wait3A_54 = arith.constant 0 : i32
      %dma_wait3A_55 = tpu.memref_slice %arg3[%select_n3A, %dma_wait3A_54] : memref<16x1024xi32, #tpu.memory_space<hbm>> -> memref<1x1024xi32, #tpu.memory_space<hbm>>
      %dma_wait3A_56 = tpu.memref_squeeze %dma_wait3A_55 : memref<1x1024xi32, #tpu.memory_space<hbm>> -> memref<1024xi32, #tpu.memory_space<hbm>>
      tpu.wait_dma2 semaphore(%run_scoped3A : memref<!tpu.dma_semaphore, #tpu.memory_space<semaphore_mem>>) src(%dma_wait3A_56 : memref<1024xi32, #tpu.memory_space<hbm>>) dst(%arg6 : memref<1024xi32, #tpu.memory_space<vmem>>)
      tpu.yield
    }) : () -> ()
    %mul3A_31 = arith.constant 32 : i32
    %mul3A_32 = arith.muli %select_n3A_30, %mul3A_31 : i32
    %mul3A_33 = arith.constant 1024 : i32
    %mul3A_34 = arith.muli %mul3A_32, %mul3A_33 : i32
    "tpu.region"() ({
      %run_scoped3A = tpu.sem_alloc : memref<!tpu.dma_semaphore, #tpu.memory_space<semaphore_mem>>
      %dma_start3A = tpu.memref_slice %arg2[%mul3A_34] : memref<65536xf32, #tpu.memory_space<hbm>> -> memref<32768xf32, #tpu.memory_space<hbm>>
      %dma_start3A_47 = tpu.memref_slice %arg2[%mul3A_34] : memref<65536xf32, #tpu.memory_space<hbm>> -> memref<32768xf32, #tpu.memory_space<hbm>>
      tpu.enqueue_dma source(%dma_start3A_47 : memref<32768xf32, #tpu.memory_space<hbm>>) target(%arg5 : memref<32768xf32, #tpu.memory_space<vmem>>) target_semaphore(%run_scoped3A : memref<!tpu.dma_semaphore, #tpu.memory_space<semaphore_mem>>)
      %dma_wait3A = tpu.memref_slice %arg2[%mul3A_34] : memref<65536xf32, #tpu.memory_space<hbm>> -> memref<32768xf32, #tpu.memory_space<hbm>>
      %dma_wait3A_48 = tpu.memref_slice %arg2[%mul3A_34] : memref<65536xf32, #tpu.memory_space<hbm>> -> memref<32768xf32, #tpu.memory_space<hbm>>
      tpu.wait_dma2 semaphore(%run_scoped3A : memref<!tpu.dma_semaphore, #tpu.memory_space<semaphore_mem>>) src(%dma_wait3A_48 : memref<32768xf32, #tpu.memory_space<hbm>>) dst(%arg5 : memref<32768xf32, #tpu.memory_space<vmem>>)
      tpu.yield
    }) : () -> ()
    %scan3A = arith.constant 0 : i32
    %scan3A_35 = arith.constant 0 : i32
    %scan3A_36 = arith.constant 32 : i32
    %scan3A_37 = arith.addi %scan3A_35, %scan3A_36 : i32
    %scan3A_38 = arith.constant 1 : i32
    scf.for %scan3A_47 = %scan3A_35 to %scan3A_37 step %scan3A_38  : i32 {
      %mul3A_48 = arith.constant 1024 : i32
      %mul3A_49 = arith.muli %scan3A_47, %mul3A_48 : i32
      %broadcast_in_dim3A = vector.broadcast %mul3A_49 : i32 to vector<16xi32>
      %get3A = arith.constant 0 : index
      %get3A_50 = tpu.vector_load %arg6[%get3A] {strides = array<i32>} : memref<1024xi32, #tpu.memory_space<vmem>>, vector<16xi32>,
      %add3A_51 = arith.addi %broadcast_in_dim3A, %get3A_50 : vector<16xi32>
      %gather3A = tpu.vector_load_idx %arg5[%add3A_51] : memref<32768xf32, #tpu.memory_space<vmem>>[vector<16xi32>], vector<16xf32>,
      %mul3A_52 = arith.constant 1024 : i32
      %mul3A_53 = arith.muli %scan3A_47, %mul3A_52 : i32
      %add3A_54 = arith.constant 0 : i32
      %add3A_55 = arith.addi %mul3A_53, %add3A_54 : i32
      %swap3A = arith.index_cast %add3A_55 : i32 to index
      %swap3A_56 = tpu.vector_load %arg7[%swap3A] {strides = array<i32>} : memref<32768xf32, #tpu.memory_space<vmem>>, vector<16xf32>,
      tpu.vector_store %arg7[%swap3A], %gather3A {strides = array<i32>} : memref<32768xf32, #tpu.memory_space<vmem>>, vector<16xf32>,
      %get3A_57 = arith.constant 16 : index
      %get3A_58 = tpu.vector_load %arg6[%get3A_57] {strides = array<i32>} : memref<1024xi32, #tpu.memory_space<vmem>>, vector<16xi32>,
      %add3A_59 = arith.addi %broadcast_in_dim3A, %get3A_58 : vector<16xi32>
      %gather3A_60 = tpu.vector_load_idx %arg5[%add3A_59] : memref<32768xf32, #tpu.memory_space<vmem>>[vector<16xi32>], vector<16xf32>,
      %mul3A_61 = arith.constant 1024 : i32
      %mul3A_62 = arith.muli %scan3A_47, %mul3A_61 : i32
      %add3A_63 = arith.constant 16 : i32
      %add3A_64 = arith.addi %mul3A_62, %add3A_63 : i32
      %swap3A_65 = arith.index_cast %add3A_64 : i32 to index
      %swap3A_66 = tpu.vector_load %arg7[%swap3A_65] {strides = array<i32>} : memref<32768xf32, #tpu.memory_space<vmem>>, vector<16xf32>,
      tpu.vector_store %arg7[%swap3A_65], %gather3A_60 {strides = array<i32>} : memref<32768xf32, #tpu.memory_space<vmem>>, vector<16xf32>,
      %get3A_67 = arith.constant 32 : index
      %get3A_68 = tpu.vector_load %arg6[%get3A_67] {strides = array<i32>} : memref<1024xi32, #tpu.memory_space<vmem>>, vector<16xi32>,
      %add3A_69 = arith.addi %broadcast_in_dim3A, %get3A_68 : vector<16xi32>
      %gather3A_70 = tpu.vector_load_idx %arg5[%add3A_69] : memref<32768xf32, #tpu.memory_space<vmem>>[vector<16xi32>], vector<16xf32>,
      %mul3A_71 = arith.constant 1024 : i32
      %mul3A_72 = arith.muli %scan3A_47, %mul3A_71 : i32
      %add3A_73 = arith.constant 32 : i32
      %add3A_74 = arith.addi %mul3A_72, %add3A_73 : i32
      %swap3A_75 = arith.index_cast %add3A_74 : i32 to index
      %swap3A_76 = tpu.vector_load %arg7[%swap3A_75] {strides = array<i32>} : memref<32768xf32, #tpu.memory_space<vmem>>, vector<16xf32>,
      tpu.vector_store %arg7[%swap3A_75], %gather3A_70 {strides = array<i32>} : memref<32768xf32, #tpu.memory_space<vmem>>, vector<16xf32>,
      %get3A_77 = arith.constant 48 : index
      %get3A_78 = tpu.vector_load %arg6[%get3A_77] {strides = array<i32>} : memref<1024xi32, #tpu.memory_space<vmem>>, vector<16xi32>,
      %add3A_79 = arith.addi %broadcast_in_dim3A, %get3A_78 : vector<16xi32>
      %gather3A_80 = tpu.vector_load_idx %arg5[%add3A_79] : memref<32768xf32, #tpu.memory_space<vmem>>[vector<16xi32>], vector<16xf32>,
      %mul3A_81 = arith.constant 1024 : i32
      %mul3A_82 = arith.muli %scan3A_47, %mul3A_81 : i32
      %add3A_83 = arith.constant 48 : i32
      %add3A_84 = arith.addi %mul3A_82, %add3A_83 : i32
      %swap3A_85 = arith.index_cast %add3A_84 : i32 to index
      %swap3A_86 = tpu.vector_load %arg7[%swap3A_85] {strides = array<i32>} : memref<32768xf32, #tpu.memory_space<vmem>>, vector<16xf32>,
      tpu.vector_store %arg7[%swap3A_85], %gather3A_80 {strides = array<i32>} : memref<32768xf32, #tpu.memory_space<vmem>>, vector<16xf32>,
      %get3A_87 = arith.constant 64 : index
      %get3A_88 = tpu.vector_load %arg6[%get3A_87] {strides = array<i32>} : memref<1024xi32, #tpu.memory_space<vmem>>, vector<16xi32>,
      %add3A_89 = arith.addi %broadcast_in_dim3A, %get3A_88 : vector<16xi32>
      %gather3A_90 = tpu.vector_load_idx %arg5[%add3A_89] : memref<32768xf32, #tpu.memory_space<vmem>>[vector<16xi32>], vector<16xf32>,
      %mul3A_91 = arith.constant 1024 : i32
      %mul3A_92 = arith.muli %scan3A_47, %mul3A_91 : i32
      %add3A_93 = arith.constant 64 : i32
      %add3A_94 = arith.addi %mul3A_92, %add3A_93 : i32
      %swap3A_95 = arith.index_cast %add3A_94 : i32 to index
      %swap3A_96 = tpu.vector_load %arg7[%swap3A_95] {strides = array<i32>} : memref<32768xf32, #tpu.memory_space<vmem>>, vector<16xf32>,
      tpu.vector_store %arg7[%swap3A_95], %gather3A_90 {strides = array<i32>} : memref<32768xf32, #tpu.memory_space<vmem>>, vector<16xf32>,
      %get3A_97 = arith.constant 80 : index
      %get3A_98 = tpu.vector_load %arg6[%get3A_97] {strides = array<i32>} : memref<1024xi32, #tpu.memory_space<vmem>>, vector<16xi32>,
      %add3A_99 = arith.addi %broadcast_in_dim3A, %get3A_98 : vector<16xi32>
      %gather3A_100 = tpu.vector_load_idx %arg5[%add3A_99] : memref<32768xf32, #tpu.memory_space<vmem>>[vector<16xi32>], vector<16xf32>,
      %mul3A_101 = arith.constant 1024 : i32
      %mul3A_102 = arith.muli %scan3A_47, %mul3A_101 : i32
      %add3A_103 = arith.constant 80 : i32
      %add3A_104 = arith.addi %mul3A_102, %add3A_103 : i32
      %swap3A_105 = arith.index_cast %add3A_104 : i32 to index
      %swap3A_106 = tpu.vector_load %arg7[%swap3A_105] {strides = array<i32>} : memref<32768xf32, #tpu.memory_space<vmem>>, vector<16xf32>,
      tpu.vector_store %arg7[%swap3A_105], %gather3A_100 {strides = array<i32>} : memref<32768xf32, #tpu.memory_space<vmem>>, vector<16xf32>,
      %get3A_107 = arith.constant 96 : index
      %get3A_108 = tpu.vector_load %arg6[%get3A_107] {strides = array<i32>} : memref<1024xi32, #tpu.memory_space<vmem>>, vector<16xi32>,
      %add3A_109 = arith.addi %broadcast_in_dim3A, %get3A_108 : vector<16xi32>
      %gather3A_110 = tpu.vector_load_idx %arg5[%add3A_109] : memref<32768xf32, #tpu.memory_space<vmem>>[vector<16xi32>], vector<16xf32>,
      %mul3A_111 = arith.constant 1024 : i32
      %mul3A_112 = arith.muli %scan3A_47, %mul3A_111 : i32
      %add3A_113 = arith.constant 96 : i32
      %add3A_114 = arith.addi %mul3A_112, %add3A_113 : i32
      %swap3A_115 = arith.index_cast %add3A_114 : i32 to index
      %swap3A_116 = tpu.vector_load %arg7[%swap3A_115] {strides = array<i32>} : memref<32768xf32, #tpu.memory_space<vmem>>, vector<16xf32>,
      tpu.vector_store %arg7[%swap3A_115], %gather3A_110 {strides = array<i32>} : memref<32768xf32, #tpu.memory_space<vmem>>, vector<16xf32>,
      %get3A_117 = arith.constant 112 : index
      %get3A_118 = tpu.vector_load %arg6[%get3A_117] {strides = array<i32>} : memref<1024xi32, #tpu.memory_space<vmem>>, vector<16xi32>,
      %add3A_119 = arith.addi %broadcast_in_dim3A, %get3A_118 : vector<16xi32>
      %gather3A_120 = tpu.vector_load_idx %arg5[%add3A_119] : memref<32768xf32, #tpu.memory_space<vmem>>[vector<16xi32>], vector<16xf32>,
      %mul3A_121 = arith.constant 1024 : i32
      %mul3A_122 = arith.muli %scan3A_47, %mul3A_121 : i32
      %add3A_123 = arith.constant 112 : i32
      %add3A_124 = arith.addi %mul3A_122, %add3A_123 : i32
      %swap3A_125 = arith.index_cast %add3A_124 : i32 to index
      %swap3A_126 = tpu.vector_load %arg7[%swap3A_125] {strides = array<i32>} : memref<32768xf32, #tpu.memory_space<vmem>>, vector<16xf32>,
      tpu.vector_store %arg7[%swap3A_125], %gather3A_120 {strides = array<i32>} : memref<32768xf32, #tpu.memory_space<vmem>>, vector<16xf32>,
      %get3A_127 = arith.constant 128 : index
      %get3A_128 = tpu.vector_load %arg6[%get3A_127] {strides = array<i32>} : memref<1024xi32, #tpu.memory_space<vmem>>, vector<16xi32>,
      %add3A_129 = arith.addi %broadcast_in_dim3A, %get3A_128 : vector<16xi32>
      %gather3A_130 = tpu.vector_load_idx %arg5[%add3A_129] : memref<32768xf32, #tpu.memory_space<vmem>>[vector<16xi32>], vector<16xf32>,
      %mul3A_131 = arith.constant 1024 : i32
      %mul3A_132 = arith.muli %scan3A_47, %mul3A_131 : i32
      %add3A_133 = arith.constant 128 : i32
      %add3A_134 = arith.addi %mul3A_132, %add3A_133 : i32
      %swap3A_135 = arith.index_cast %add3A_134 : i32 to index
      %swap3A_136 = tpu.vector_load %arg7[%swap3A_135] {strides = array<i32>} : memref<32768xf32, #tpu.memory_space<vmem>>, vector<16xf32>,
      tpu.vector_store %arg7[%swap3A_135], %gather3A_130 {strides = array<i32>} : memref<32768xf32, #tpu.memory_space<vmem>>, vector<16xf32>,
      %get3A_137 = arith.constant 144 : index
      %get3A_138 = tpu.vector_load %arg6[%get3A_137] {strides = array<i32>} : memref<1024xi32, #tpu.memory_space<vmem>>, vector<16xi32>,
      %add3A_139 = arith.addi %broadcast_in_dim3A, %get3A_138 : vector<16xi32>
      %gather3A_140 = tpu.vector_load_idx %arg5[%add3A_139] : memref<32768xf32, #tpu.memory_space<vmem>>[vector<16xi32>], vector<16xf32>,
      %mul3A_141 = arith.constant 1024 : i32
      %mul3A_142 = arith.muli %scan3A_47, %mul3A_141 : i32
      %add3A_143 = arith.constant 144 : i32
      %add3A_144 = arith.addi %mul3A_142, %add3A_143 : i32
      %swap3A_145 = arith.index_cast %add3A_144 : i32 to index
      %swap3A_146 = tpu.vector_load %arg7[%swap3A_145] {strides = array<i32>} : memref<32768xf32, #tpu.memory_space<vmem>>, vector<16xf32>,
      tpu.vector_store %arg7[%swap3A_145], %gather3A_140 {strides = array<i32>} : memref<32768xf32, #tpu.memory_space<vmem>>, vector<16xf32>,
      %get3A_147 = arith.constant 160 : index
      %get3A_148 = tpu.vector_load %arg6[%get3A_147] {strides = array<i32>} : memref<1024xi32, #tpu.memory_space<vmem>>, vector<16xi32>,
      %add3A_149 = arith.addi %broadcast_in_dim3A, %get3A_148 : vector<16xi32>
      %gather3A_150 = tpu.vector_load_idx %arg5[%add3A_149] : memref<32768xf32, #tpu.memory_space<vmem>>[vector<16xi32>], vector<16xf32>,
      %mul3A_151 = arith.constant 1024 : i32
      %mul3A_152 = arith.muli %scan3A_47, %mul3A_151 : i32
      %add3A_153 = arith.constant 160 : i32
      %add3A_154 = arith.addi %mul3A_152, %add3A_153 : i32
      %swap3A_155 = arith.index_cast %add3A_154 : i32 to index
      %swap3A_156 = tpu.vector_load %arg7[%swap3A_155] {strides = array<i32>} : memref<32768xf32, #tpu.memory_space<vmem>>, vector<16xf32>,
      tpu.vector_store %arg7[%swap3A_155], %gather3A_150 {strides = array<i32>} : memref<32768xf32, #tpu.memory_space<vmem>>, vector<16xf32>,
      %get3A_157 = arith.constant 176 : index
      %get3A_158 = tpu.vector_load %arg6[%get3A_157] {strides = array<i32>} : memref<1024xi32, #tpu.memory_space<vmem>>, vector<16xi32>,
      %add3A_159 = arith.addi %broadcast_in_dim3A, %get3A_158 : vector<16xi32>
      %gather3A_160 = tpu.vector_load_idx %arg5[%add3A_159] : memref<32768xf32, #tpu.memory_space<vmem>>[vector<16xi32>], vector<16xf32>,
      %mul3A_161 = arith.constant 1024 : i32
      %mul3A_162 = arith.muli %scan3A_47, %mul3A_161 : i32
      %add3A_163 = arith.constant 176 : i32
      %add3A_164 = arith.addi %mul3A_162, %add3A_163 : i32
      %swap3A_165 = arith.index_cast %add3A_164 : i32 to index
      %swap3A_166 = tpu.vector_load %arg7[%swap3A_165] {strides = array<i32>} : memref<32768xf32, #tpu.memory_space<vmem>>, vector<16xf32>,
      tpu.vector_store %arg7[%swap3A_165], %gather3A_160 {strides = array<i32>} : memref<32768xf32, #tpu.memory_space<vmem>>, vector<16xf32>,
      %get3A_167 = arith.constant 192 : index
      %get3A_168 = tpu.vector_load %arg6[%get3A_167] {strides = array<i32>} : memref<1024xi32, #tpu.memory_space<vmem>>, vector<16xi32>,
      %add3A_169 = arith.addi %broadcast_in_dim3A, %get3A_168 : vector<16xi32>
      %gather3A_170 = tpu.vector_load_idx %arg5[%add3A_169] : memref<32768xf32, #tpu.memory_space<vmem>>[vector<16xi32>], vector<16xf32>,
      %mul3A_171 = arith.constant 1024 : i32
      %mul3A_172 = arith.muli %scan3A_47, %mul3A_171 : i32
      %add3A_173 = arith.constant 192 : i32
      %add3A_174 = arith.addi %mul3A_172, %add3A_173 : i32
      %swap3A_175 = arith.index_cast %add3A_174 : i32 to index
      %swap3A_176 = tpu.vector_load %arg7[%swap3A_175] {strides = array<i32>} : memref<32768xf32, #tpu.memory_space<vmem>>, vector<16xf32>,
      tpu.vector_store %arg7[%swap3A_175], %gather3A_170 {strides = array<i32>} : memref<32768xf32, #tpu.memory_space<vmem>>, vector<16xf32>,
      %get3A_177 = arith.constant 208 : index
      %get3A_178 = tpu.vector_load %arg6[%get3A_177] {strides = array<i32>} : memref<1024xi32, #tpu.memory_space<vmem>>, vector<16xi32>,
      %add3A_179 = arith.addi %broadcast_in_dim3A, %get3A_178 : vector<16xi32>
      %gather3A_180 = tpu.vector_load_idx %arg5[%add3A_179] : memref<32768xf32, #tpu.memory_space<vmem>>[vector<16xi32>], vector<16xf32>,
      %mul3A_181 = arith.constant 1024 : i32
      %mul3A_182 = arith.muli %scan3A_47, %mul3A_181 : i32
      %add3A_183 = arith.constant 208 : i32
      %add3A_184 = arith.addi %mul3A_182, %add3A_183 : i32
      %swap3A_185 = arith.index_cast %add3A_184 : i32 to index
      %swap3A_186 = tpu.vector_load %arg7[%swap3A_185] {strides = array<i32>} : memref<32768xf32, #tpu.memory_space<vmem>>, vector<16xf32>,
      tpu.vector_store %arg7[%swap3A_185], %gather3A_180 {strides = array<i32>} : memref<32768xf32, #tpu.memory_space<vmem>>, vector<16xf32>,
      %get3A_187 = arith.constant 224 : index
      %get3A_188 = tpu.vector_load %arg6[%get3A_187] {strides = array<i32>} : memref<1024xi32, #tpu.memory_space<vmem>>, vector<16xi32>,
      %add3A_189 = arith.addi %broadcast_in_dim3A, %get3A_188 : vector<16xi32>
      %gather3A_190 = tpu.vector_load_idx %arg5[%add3A_189] : memref<32768xf32, #tpu.memory_space<vmem>>[vector<16xi32>], vector<16xf32>,
      %mul3A_191 = arith.constant 1024 : i32
      %mul3A_192 = arith.muli %scan3A_47, %mul3A_191 : i32
      %add3A_193 = arith.constant 224 : i32
      %add3A_194 = arith.addi %mul3A_192, %add3A_193 : i32
      %swap3A_195 = arith.index_cast %add3A_194 : i32 to index
      %swap3A_196 = tpu.vector_load %arg7[%swap3A_195] {strides = array<i32>} : memref<32768xf32, #tpu.memory_space<vmem>>, vector<16xf32>,
      tpu.vector_store %arg7[%swap3A_195], %gather3A_190 {strides = array<i32>} : memref<32768xf32, #tpu.memory_space<vmem>>, vector<16xf32>,
      %get3A_197 = arith.constant 240 : index
      %get3A_198 = tpu.vector_load %arg6[%get3A_197] {strides = array<i32>} : memref<1024xi32, #tpu.memory_space<vmem>>, vector<16xi32>,
      %add3A_199 = arith.addi %broadcast_in_dim3A, %get3A_198 : vector<16xi32>
      %gather3A_200 = tpu.vector_load_idx %arg5[%add3A_199] : memref<32768xf32, #tpu.memory_space<vmem>>[vector<16xi32>], vector<16xf32>,
      %mul3A_201 = arith.constant 1024 : i32
      %mul3A_202 = arith.muli %scan3A_47, %mul3A_201 : i32
      %add3A_203 = arith.constant 240 : i32
      %add3A_204 = arith.addi %mul3A_202, %add3A_203 : i32
      %swap3A_205 = arith.index_cast %add3A_204 : i32 to index
      %swap3A_206 = tpu.vector_load %arg7[%swap3A_205] {strides = array<i32>} : memref<32768xf32, #tpu.memory_space<vmem>>, vector<16xf32>,
      tpu.vector_store %arg7[%swap3A_205], %gather3A_200 {strides = array<i32>} : memref<32768xf32, #tpu.memory_space<vmem>>, vector<16xf32>,
      %get3A_207 = arith.constant 256 : index
      %get3A_208 = tpu.vector_load %arg6[%get3A_207] {strides = array<i32>} : memref<1024xi32, #tpu.memory_space<vmem>>, vector<16xi32>,
      %add3A_209 = arith.addi %broadcast_in_dim3A, %get3A_208 : vector<16xi32>
      %gather3A_210 = tpu.vector_load_idx %arg5[%add3A_209] : memref<32768xf32, #tpu.memory_space<vmem>>[vector<16xi32>], vector<16xf32>,
      %mul3A_211 = arith.constant 1024 : i32
      %mul3A_212 = arith.muli %scan3A_47, %mul3A_211 : i32
      %add3A_213 = arith.constant 256 : i32
      %add3A_214 = arith.addi %mul3A_212, %add3A_213 : i32
      %swap3A_215 = arith.index_cast %add3A_214 : i32 to index
      %swap3A_216 = tpu.vector_load %arg7[%swap3A_215] {strides = array<i32>} : memref<32768xf32, #tpu.memory_space<vmem>>, vector<16xf32>,
      tpu.vector_store %arg7[%swap3A_215], %gather3A_210 {strides = array<i32>} : memref<32768xf32, #tpu.memory_space<vmem>>, vector<16xf32>,
      %get3A_217 = arith.constant 272 : index
      %get3A_218 = tpu.vector_load %arg6[%get3A_217] {strides = array<i32>} : memref<1024xi32, #tpu.memory_space<vmem>>, vector<16xi32>,
      %add3A_219 = arith.addi %broadcast_in_dim3A, %get3A_218 : vector<16xi32>
      %gather3A_220 = tpu.vector_load_idx %arg5[%add3A_219] : memref<32768xf32, #tpu.memory_space<vmem>>[vector<16xi32>], vector<16xf32>,
      %mul3A_221 = arith.constant 1024 : i32
      %mul3A_222 = arith.muli %scan3A_47, %mul3A_221 : i32
      %add3A_223 = arith.constant 272 : i32
      %add3A_224 = arith.addi %mul3A_222, %add3A_223 : i32
      %swap3A_225 = arith.index_cast %add3A_224 : i32 to index
      %swap3A_226 = tpu.vector_load %arg7[%swap3A_225] {strides = array<i32>} : memref<32768xf32, #tpu.memory_space<vmem>>, vector<16xf32>,
      tpu.vector_store %arg7[%swap3A_225], %gather3A_220 {strides = array<i32>} : memref<32768xf32, #tpu.memory_space<vmem>>, vector<16xf32>,
      %get3A_227 = arith.constant 288 : index
      %get3A_228 = tpu.vector_load %arg6[%get3A_227] {strides = array<i32>} : memref<1024xi32, #tpu.memory_space<vmem>>, vector<16xi32>,
      %add3A_229 = arith.addi %broadcast_in_dim3A, %get3A_228 : vector<16xi32>
      %gather3A_230 = tpu.vector_load_idx %arg5[%add3A_229] : memref<32768xf32, #tpu.memory_space<vmem>>[vector<16xi32>], vector<16xf32>,
      %mul3A_231 = arith.constant 1024 : i32
      %mul3A_232 = arith.muli %scan3A_47, %mul3A_231 : i32
      %add3A_233 = arith.constant 288 : i32
      %add3A_234 = arith.addi %mul3A_232, %add3A_233 : i32
      %swap3A_235 = arith.index_cast %add3A_234 : i32 to index
      %swap3A_236 = tpu.vector_load %arg7[%swap3A_235] {strides = array<i32>} : memref<32768xf32, #tpu.memory_space<vmem>>, vector<16xf32>,
      tpu.vector_store %arg7[%swap3A_235], %gather3A_230 {strides = array<i32>} : memref<32768xf32, #tpu.memory_space<vmem>>, vector<16xf32>,
      %get3A_237 = arith.constant 304 : index
      %get3A_238 = tpu.vector_load %arg6[%get3A_237] {strides = array<i32>} : memref<1024xi32, #tpu.memory_space<vmem>>, vector<16xi32>,
      %add3A_239 = arith.addi %broadcast_in_dim3A, %get3A_238 : vector<16xi32>
      %gather3A_240 = tpu.vector_load_idx %arg5[%add3A_239] : memref<32768xf32, #tpu.memory_space<vmem>>[vector<16xi32>], vector<16xf32>,
      %mul3A_241 = arith.constant 1024 : i32
      %mul3A_242 = arith.muli %scan3A_47, %mul3A_241 : i32
      %add3A_243 = arith.constant 304 : i32
      %add3A_244 = arith.addi %mul3A_242, %add3A_243 : i32
      %swap3A_245 = arith.index_cast %add3A_244 : i32 to index
      %swap3A_246 = tpu.vector_load %arg7[%swap3A_245] {strides = array<i32>} : memref<32768xf32, #tpu.memory_space<vmem>>, vector<16xf32>,
      tpu.vector_store %arg7[%swap3A_245], %gather3A_240 {strides = array<i32>} : memref<32768xf32, #tpu.memory_space<vmem>>, vector<16xf32>,
      %get3A_247 = arith.constant 320 : index
      %get3A_248 = tpu.vector_load %arg6[%get3A_247] {strides = array<i32>} : memref<1024xi32, #tpu.memory_space<vmem>>, vector<16xi32>,
      %add3A_249 = arith.addi %broadcast_in_dim3A, %get3A_248 : vector<16xi32>
      %gather3A_250 = tpu.vector_load_idx %arg5[%add3A_249] : memref<32768xf32, #tpu.memory_space<vmem>>[vector<16xi32>], vector<16xf32>,
      %mul3A_251 = arith.constant 1024 : i32
      %mul3A_252 = arith.muli %scan3A_47, %mul3A_251 : i32
      %add3A_253 = arith.constant 320 : i32
      %add3A_254 = arith.addi %mul3A_252, %add3A_253 : i32
      %swap3A_255 = arith.index_cast %add3A_254 : i32 to index
      %swap3A_256 = tpu.vector_load %arg7[%swap3A_255] {strides = array<i32>} : memref<32768xf32, #tpu.memory_space<vmem>>, vector<16xf32>,
      tpu.vector_store %arg7[%swap3A_255], %gather3A_250 {strides = array<i32>} : memref<32768xf32, #tpu.memory_space<vmem>>, vector<16xf32>,
      %get3A_257 = arith.constant 336 : index
      %get3A_258 = tpu.vector_load %arg6[%get3A_257] {strides = array<i32>} : memref<1024xi32, #tpu.memory_space<vmem>>, vector<16xi32>,
      %add3A_259 = arith.addi %broadcast_in_dim3A, %get3A_258 : vector<16xi32>
      %gather3A_260 = tpu.vector_load_idx %arg5[%add3A_259] : memref<32768xf32, #tpu.memory_space<vmem>>[vector<16xi32>], vector<16xf32>,
      %mul3A_261 = arith.constant 1024 : i32
      %mul3A_262 = arith.muli %scan3A_47, %mul3A_261 : i32
      %add3A_263 = arith.constant 336 : i32
      %add3A_264 = arith.addi %mul3A_262, %add3A_263 : i32
      %swap3A_265 = arith.index_cast %add3A_264 : i32 to index
      %swap3A_266 = tpu.vector_load %arg7[%swap3A_265] {strides = array<i32>} : memref<32768xf32, #tpu.memory_space<vmem>>, vector<16xf32>,
      tpu.vector_store %arg7[%swap3A_265], %gather3A_260 {strides = array<i32>} : memref<32768xf32, #tpu.memory_space<vmem>>, vector<16xf32>,
      %get3A_267 = arith.constant 352 : index
      %get3A_268 = tpu.vector_load %arg6[%get3A_267] {strides = array<i32>} : memref<1024xi32, #tpu.memory_space<vmem>>, vector<16xi32>,
      %add3A_269 = arith.addi %broadcast_in_dim3A, %get3A_268 : vector<16xi32>
      %gather3A_270 = tpu.vector_load_idx %arg5[%add3A_269] : memref<32768xf32, #tpu.memory_space<vmem>>[vector<16xi32>], vector<16xf32>,
      %mul3A_271 = arith.constant 1024 : i32
      %mul3A_272 = arith.muli %scan3A_47, %mul3A_271 : i32
      %add3A_273 = arith.constant 352 : i32
      %add3A_274 = arith.addi %mul3A_272, %add3A_273 : i32
      %swap3A_275 = arith.index_cast %add3A_274 : i32 to index
      %swap3A_276 = tpu.vector_load %arg7[%swap3A_275] {strides = array<i32>} : memref<32768xf32, #tpu.memory_space<vmem>>, vector<16xf32>,
      tpu.vector_store %arg7[%swap3A_275], %gather3A_270 {strides = array<i32>} : memref<32768xf32, #tpu.memory_space<vmem>>, vector<16xf32>,
      %get3A_277 = arith.constant 368 : index
      %get3A_278 = tpu.vector_load %arg6[%get3A_277] {strides = array<i32>} : memref<1024xi32, #tpu.memory_space<vmem>>, vector<16xi32>,
      %add3A_279 = arith.addi %broadcast_in_dim3A, %get3A_278 : vector<16xi32>
      %gather3A_280 = tpu.vector_load_idx %arg5[%add3A_279] : memref<32768xf32, #tpu.memory_space<vmem>>[vector<16xi32>], vector<16xf32>,
      %mul3A_281 = arith.constant 1024 : i32
      %mul3A_282 = arith.muli %scan3A_47, %mul3A_281 : i32
      %add3A_283 = arith.constant 368 : i32
      %add3A_284 = arith.addi %mul3A_282, %add3A_283 : i32
      %swap3A_285 = arith.index_cast %add3A_284 : i32 to index
      %swap3A_286 = tpu.vector_load %arg7[%swap3A_285] {strides = array<i32>} : memref<32768xf32, #tpu.memory_space<vmem>>, vector<16xf32>,
      tpu.vector_store %arg7[%swap3A_285], %gather3A_280 {strides = array<i32>} : memref<32768xf32, #tpu.memory_space<vmem>>, vector<16xf32>,
      %get3A_287 = arith.constant 384 : index
      %get3A_288 = tpu.vector_load %arg6[%get3A_287] {strides = array<i32>} : memref<1024xi32, #tpu.memory_space<vmem>>, vector<16xi32>,
      %add3A_289 = arith.addi %broadcast_in_dim3A, %get3A_288 : vector<16xi32>
      %gather3A_290 = tpu.vector_load_idx %arg5[%add3A_289] : memref<32768xf32, #tpu.memory_space<vmem>>[vector<16xi32>], vector<16xf32>,
      %mul3A_291 = arith.constant 1024 : i32
      %mul3A_292 = arith.muli %scan3A_47, %mul3A_291 : i32
      %add3A_293 = arith.constant 384 : i32
      %add3A_294 = arith.addi %mul3A_292, %add3A_293 : i32
      %swap3A_295 = arith.index_cast %add3A_294 : i32 to index
      %swap3A_296 = tpu.vector_load %arg7[%swap3A_295] {strides = array<i32>} : memref<32768xf32, #tpu.memory_space<vmem>>, vector<16xf32>,
      tpu.vector_store %arg7[%swap3A_295], %gather3A_290 {strides = array<i32>} : memref<32768xf32, #tpu.memory_space<vmem>>, vector<16xf32>,
      %get3A_297 = arith.constant 400 : index
      %get3A_298 = tpu.vector_load %arg6[%get3A_297] {strides = array<i32>} : memref<1024xi32, #tpu.memory_space<vmem>>, vector<16xi32>,
      %add3A_299 = arith.addi %broadcast_in_dim3A, %get3A_298 : vector<16xi32>
      %gather3A_300 = tpu.vector_load_idx %arg5[%add3A_299] : memref<32768xf32, #tpu.memory_space<vmem>>[vector<16xi32>], vector<16xf32>,
      %mul3A_301 = arith.constant 1024 : i32
      %mul3A_302 = arith.muli %scan3A_47, %mul3A_301 : i32
      %add3A_303 = arith.constant 400 : i32
      %add3A_304 = arith.addi %mul3A_302, %add3A_303 : i32
      %swap3A_305 = arith.index_cast %add3A_304 : i32 to index
      %swap3A_306 = tpu.vector_load %arg7[%swap3A_305] {strides = array<i32>} : memref<32768xf32, #tpu.memory_space<vmem>>, vector<16xf32>,
      tpu.vector_store %arg7[%swap3A_305], %gather3A_300 {strides = array<i32>} : memref<32768xf32, #tpu.memory_space<vmem>>, vector<16xf32>,
      %get3A_307 = arith.constant 416 : index
      %get3A_308 = tpu.vector_load %arg6[%get3A_307] {strides = array<i32>} : memref<1024xi32, #tpu.memory_space<vmem>>, vector<16xi32>,
      %add3A_309 = arith.addi %broadcast_in_dim3A, %get3A_308 : vector<16xi32>
      %gather3A_310 = tpu.vector_load_idx %arg5[%add3A_309] : memref<32768xf32, #tpu.memory_space<vmem>>[vector<16xi32>], vector<16xf32>,
      %mul3A_311 = arith.constant 1024 : i32
      %mul3A_312 = arith.muli %scan3A_47, %mul3A_311 : i32
      %add3A_313 = arith.constant 416 : i32
      %add3A_314 = arith.addi %mul3A_312, %add3A_313 : i32
      %swap3A_315 = arith.index_cast %add3A_314 : i32 to index
      %swap3A_316 = tpu.vector_load %arg7[%swap3A_315] {strides = array<i32>} : memref<32768xf32, #tpu.memory_space<vmem>>, vector<16xf32>,
      tpu.vector_store %arg7[%swap3A_315], %gather3A_310 {strides = array<i32>} : memref<32768xf32, #tpu.memory_space<vmem>>, vector<16xf32>,
      %get3A_317 = arith.constant 432 : index
      %get3A_318 = tpu.vector_load %arg6[%get3A_317] {strides = array<i32>} : memref<1024xi32, #tpu.memory_space<vmem>>, vector<16xi32>,
      %add3A_319 = arith.addi %broadcast_in_dim3A, %get3A_318 : vector<16xi32>
      %gather3A_320 = tpu.vector_load_idx %arg5[%add3A_319] : memref<32768xf32, #tpu.memory_space<vmem>>[vector<16xi32>], vector<16xf32>,
      %mul3A_321 = arith.constant 1024 : i32
      %mul3A_322 = arith.muli %scan3A_47, %mul3A_321 : i32
      %add3A_323 = arith.constant 432 : i32
      %add3A_324 = arith.addi %mul3A_322, %add3A_323 : i32
      %swap3A_325 = arith.index_cast %add3A_324 : i32 to index
      %swap3A_326 = tpu.vector_load %arg7[%swap3A_325] {strides = array<i32>} : memref<32768xf32, #tpu.memory_space<vmem>>, vector<16xf32>,
      tpu.vector_store %arg7[%swap3A_325], %gather3A_320 {strides = array<i32>} : memref<32768xf32, #tpu.memory_space<vmem>>, vector<16xf32>,
      %get3A_327 = arith.constant 448 : index
      %get3A_328 = tpu.vector_load %arg6[%get3A_327] {strides = array<i32>} : memref<1024xi32, #tpu.memory_space<vmem>>, vector<16xi32>,
      %add3A_329 = arith.addi %broadcast_in_dim3A, %get3A_328 : vector<16xi32>
      %gather3A_330 = tpu.vector_load_idx %arg5[%add3A_329] : memref<32768xf32, #tpu.memory_space<vmem>>[vector<16xi32>], vector<16xf32>,
      %mul3A_331 = arith.constant 1024 : i32
      %mul3A_332 = arith.muli %scan3A_47, %mul3A_331 : i32
      %add3A_333 = arith.constant 448 : i32
      %add3A_334 = arith.addi %mul3A_332, %add3A_333 : i32
      %swap3A_335 = arith.index_cast %add3A_334 : i32 to index
      %swap3A_336 = tpu.vector_load %arg7[%swap3A_335] {strides = array<i32>} : memref<32768xf32, #tpu.memory_space<vmem>>, vector<16xf32>,
      tpu.vector_store %arg7[%swap3A_335], %gather3A_330 {strides = array<i32>} : memref<32768xf32, #tpu.memory_space<vmem>>, vector<16xf32>,
      %get3A_337 = arith.constant 464 : index
      %get3A_338 = tpu.vector_load %arg6[%get3A_337] {strides = array<i32>} : memref<1024xi32, #tpu.memory_space<vmem>>, vector<16xi32>,
      %add3A_339 = arith.addi %broadcast_in_dim3A, %get3A_338 : vector<16xi32>
      %gather3A_340 = tpu.vector_load_idx %arg5[%add3A_339] : memref<32768xf32, #tpu.memory_space<vmem>>[vector<16xi32>], vector<16xf32>,
      %mul3A_341 = arith.constant 1024 : i32
      %mul3A_342 = arith.muli %scan3A_47, %mul3A_341 : i32
      %add3A_343 = arith.constant 464 : i32
      %add3A_344 = arith.addi %mul3A_342, %add3A_343 : i32
      %swap3A_345 = arith.index_cast %add3A_344 : i32 to index
      %swap3A_346 = tpu.vector_load %arg7[%swap3A_345] {strides = array<i32>} : memref<32768xf32, #tpu.memory_space<vmem>>, vector<16xf32>,
      tpu.vector_store %arg7[%swap3A_345], %gather3A_340 {strides = array<i32>} : memref<32768xf32, #tpu.memory_space<vmem>>, vector<16xf32>,
      %get3A_347 = arith.constant 480 : index
      %get3A_348 = tpu.vector_load %arg6[%get3A_347] {strides = array<i32>} : memref<1024xi32, #tpu.memory_space<vmem>>, vector<16xi32>,
      %add3A_349 = arith.addi %broadcast_in_dim3A, %get3A_348 : vector<16xi32>
      %gather3A_350 = tpu.vector_load_idx %arg5[%add3A_349] : memref<32768xf32, #tpu.memory_space<vmem>>[vector<16xi32>], vector<16xf32>,
      %mul3A_351 = arith.constant 1024 : i32
      %mul3A_352 = arith.muli %scan3A_47, %mul3A_351 : i32
      %add3A_353 = arith.constant 480 : i32
      %add3A_354 = arith.addi %mul3A_352, %add3A_353 : i32
      %swap3A_355 = arith.index_cast %add3A_354 : i32 to index
      %swap3A_356 = tpu.vector_load %arg7[%swap3A_355] {strides = array<i32>} : memref<32768xf32, #tpu.memory_space<vmem>>, vector<16xf32>,
      tpu.vector_store %arg7[%swap3A_355], %gather3A_350 {strides = array<i32>} : memref<32768xf32, #tpu.memory_space<vmem>>, vector<16xf32>,
      %get3A_357 = arith.constant 496 : index
      %get3A_358 = tpu.vector_load %arg6[%get3A_357] {strides = array<i32>} : memref<1024xi32, #tpu.memory_space<vmem>>, vector<16xi32>,
      %add3A_359 = arith.addi %broadcast_in_dim3A, %get3A_358 : vector<16xi32>
      %gather3A_360 = tpu.vector_load_idx %arg5[%add3A_359] : memref<32768xf32, #tpu.memory_space<vmem>>[vector<16xi32>], vector<16xf32>,
      %mul3A_361 = arith.constant 1024 : i32
      %mul3A_362 = arith.muli %scan3A_47, %mul3A_361 : i32
      %add3A_363 = arith.constant 496 : i32
      %add3A_364 = arith.addi %mul3A_362, %add3A_363 : i32
      %swap3A_365 = arith.index_cast %add3A_364 : i32 to index
      %swap3A_366 = tpu.vector_load %arg7[%swap3A_365] {strides = array<i32>} : memref<32768xf32, #tpu.memory_space<vmem>>, vector<16xf32>,
      tpu.vector_store %arg7[%swap3A_365], %gather3A_360 {strides = array<i32>} : memref<32768xf32, #tpu.memory_space<vmem>>, vector<16xf32>,
      %get3A_367 = arith.constant 512 : index
      %get3A_368 = tpu.vector_load %arg6[%get3A_367] {strides = array<i32>} : memref<1024xi32, #tpu.memory_space<vmem>>, vector<16xi32>,
      %add3A_369 = arith.addi %broadcast_in_dim3A, %get3A_368 : vector<16xi32>
      %gather3A_370 = tpu.vector_load_idx %arg5[%add3A_369] : memref<32768xf32, #tpu.memory_space<vmem>>[vector<16xi32>], vector<16xf32>,
      %mul3A_371 = arith.constant 1024 : i32
      %mul3A_372 = arith.muli %scan3A_47, %mul3A_371 : i32
      %add3A_373 = arith.constant 512 : i32
      %add3A_374 = arith.addi %mul3A_372, %add3A_373 : i32
      %swap3A_375 = arith.index_cast %add3A_374 : i32 to index
      %swap3A_376 = tpu.vector_load %arg7[%swap3A_375] {strides = array<i32>} : memref<32768xf32, #tpu.memory_space<vmem>>, vector<16xf32>,
      tpu.vector_store %arg7[%swap3A_375], %gather3A_370 {strides = array<i32>} : memref<32768xf32, #tpu.memory_space<vmem>>, vector<16xf32>,
      %get3A_377 = arith.constant 528 : index
      %get3A_378 = tpu.vector_load %arg6[%get3A_377] {strides = array<i32>} : memref<1024xi32, #tpu.memory_space<vmem>>, vector<16xi32>,
      %add3A_379 = arith.addi %broadcast_in_dim3A, %get3A_378 : vector<16xi32>
      %gather3A_380 = tpu.vector_load_idx %arg5[%add3A_379] : memref<32768xf32, #tpu.memory_space<vmem>>[vector<16xi32>], vector<16xf32>,
      %mul3A_381 = arith.constant 1024 : i32
      %mul3A_382 = arith.muli %scan3A_47, %mul3A_381 : i32
      %add3A_383 = arith.constant 528 : i32
      %add3A_384 = arith.addi %mul3A_382, %add3A_383 : i32
      %swap3A_385 = arith.index_cast %add3A_384 : i32 to index
      %swap3A_386 = tpu.vector_load %arg7[%swap3A_385] {strides = array<i32>} : memref<32768xf32, #tpu.memory_space<vmem>>, vector<16xf32>,
      tpu.vector_store %arg7[%swap3A_385], %gather3A_380 {strides = array<i32>} : memref<32768xf32, #tpu.memory_space<vmem>>, vector<16xf32>,
      %get3A_387 = arith.constant 544 : index
      %get3A_388 = tpu.vector_load %arg6[%get3A_387] {strides = array<i32>} : memref<1024xi32, #tpu.memory_space<vmem>>, vector<16xi32>,
      %add3A_389 = arith.addi %broadcast_in_dim3A, %get3A_388 : vector<16xi32>
      %gather3A_390 = tpu.vector_load_idx %arg5[%add3A_389] : memref<32768xf32, #tpu.memory_space<vmem>>[vector<16xi32>], vector<16xf32>,
      %mul3A_391 = arith.constant 1024 : i32
      %mul3A_392 = arith.muli %scan3A_47, %mul3A_391 : i32
      %add3A_393 = arith.constant 544 : i32
      %add3A_394 = arith.addi %mul3A_392, %add3A_393 : i32
      %swap3A_395 = arith.index_cast %add3A_394 : i32 to index
      %swap3A_396 = tpu.vector_load %arg7[%swap3A_395] {strides = array<i32>} : memref<32768xf32, #tpu.memory_space<vmem>>, vector<16xf32>,
      tpu.vector_store %arg7[%swap3A_395], %gather3A_390 {strides = array<i32>} : memref<32768xf32, #tpu.memory_space<vmem>>, vector<16xf32>,
      %get3A_397 = arith.constant 560 : index
      %get3A_398 = tpu.vector_load %arg6[%get3A_397] {strides = array<i32>} : memref<1024xi32, #tpu.memory_space<vmem>>, vector<16xi32>,
      %add3A_399 = arith.addi %broadcast_in_dim3A, %get3A_398 : vector<16xi32>
      %gather3A_400 = tpu.vector_load_idx %arg5[%add3A_399] : memref<32768xf32, #tpu.memory_space<vmem>>[vector<16xi32>], vector<16xf32>,
      %mul3A_401 = arith.constant 1024 : i32
      %mul3A_402 = arith.muli %scan3A_47, %mul3A_401 : i32
      %add3A_403 = arith.constant 560 : i32
      %add3A_404 = arith.addi %mul3A_402, %add3A_403 : i32
      %swap3A_405 = arith.index_cast %add3A_404 : i32 to index
      %swap3A_406 = tpu.vector_load %arg7[%swap3A_405] {strides = array<i32>} : memref<32768xf32, #tpu.memory_space<vmem>>, vector<16xf32>,
      tpu.vector_store %arg7[%swap3A_405], %gather3A_400 {strides = array<i32>} : memref<32768xf32, #tpu.memory_space<vmem>>, vector<16xf32>,
      %get3A_407 = arith.constant 576 : index
      %get3A_408 = tpu.vector_load %arg6[%get3A_407] {strides = array<i32>} : memref<1024xi32, #tpu.memory_space<vmem>>, vector<16xi32>,
      %add3A_409 = arith.addi %broadcast_in_dim3A, %get3A_408 : vector<16xi32>
      %gather3A_410 = tpu.vector_load_idx %arg5[%add3A_409] : memref<32768xf32, #tpu.memory_space<vmem>>[vector<16xi32>], vector<16xf32>,
      %mul3A_411 = arith.constant 1024 : i32
      %mul3A_412 = arith.muli %scan3A_47, %mul3A_411 : i32
      %add3A_413 = arith.constant 576 : i32
      %add3A_414 = arith.addi %mul3A_412, %add3A_413 : i32
      %swap3A_415 = arith.index_cast %add3A_414 : i32 to index
      %swap3A_416 = tpu.vector_load %arg7[%swap3A_415] {strides = array<i32>} : memref<32768xf32, #tpu.memory_space<vmem>>, vector<16xf32>,
      tpu.vector_store %arg7[%swap3A_415], %gather3A_410 {strides = array<i32>} : memref<32768xf32, #tpu.memory_space<vmem>>, vector<16xf32>,
      %get3A_417 = arith.constant 592 : index
      %get3A_418 = tpu.vector_load %arg6[%get3A_417] {strides = array<i32>} : memref<1024xi32, #tpu.memory_space<vmem>>, vector<16xi32>,
      %add3A_419 = arith.addi %broadcast_in_dim3A, %get3A_418 : vector<16xi32>
      %gather3A_420 = tpu.vector_load_idx %arg5[%add3A_419] : memref<32768xf32, #tpu.memory_space<vmem>>[vector<16xi32>], vector<16xf32>,
      %mul3A_421 = arith.constant 1024 : i32
      %mul3A_422 = arith.muli %scan3A_47, %mul3A_421 : i32
      %add3A_423 = arith.constant 592 : i32
      %add3A_424 = arith.addi %mul3A_422, %add3A_423 : i32
      %swap3A_425 = arith.index_cast %add3A_424 : i32 to index
      %swap3A_426 = tpu.vector_load %arg7[%swap3A_425] {strides = array<i32>} : memref<32768xf32, #tpu.memory_space<vmem>>, vector<16xf32>,
      tpu.vector_store %arg7[%swap3A_425], %gather3A_420 {strides = array<i32>} : memref<32768xf32, #tpu.memory_space<vmem>>, vector<16xf32>,
      %get3A_427 = arith.constant 608 : index
      %get3A_428 = tpu.vector_load %arg6[%get3A_427] {strides = array<i32>} : memref<1024xi32, #tpu.memory_space<vmem>>, vector<16xi32>,
      %add3A_429 = arith.addi %broadcast_in_dim3A, %get3A_428 : vector<16xi32>
      %gather3A_430 = tpu.vector_load_idx %arg5[%add3A_429] : memref<32768xf32, #tpu.memory_space<vmem>>[vector<16xi32>], vector<16xf32>,
      %mul3A_431 = arith.constant 1024 : i32
      %mul3A_432 = arith.muli %scan3A_47, %mul3A_431 : i32
      %add3A_433 = arith.constant 608 : i32
      %add3A_434 = arith.addi %mul3A_432, %add3A_433 : i32
      %swap3A_435 = arith.index_cast %add3A_434 : i32 to index
      %swap3A_436 = tpu.vector_load %arg7[%swap3A_435] {strides = array<i32>} : memref<32768xf32, #tpu.memory_space<vmem>>, vector<16xf32>,
      tpu.vector_store %arg7[%swap3A_435], %gather3A_430 {strides = array<i32>} : memref<32768xf32, #tpu.memory_space<vmem>>, vector<16xf32>,
      %get3A_437 = arith.constant 624 : index
      %get3A_438 = tpu.vector_load %arg6[%get3A_437] {strides = array<i32>} : memref<1024xi32, #tpu.memory_space<vmem>>, vector<16xi32>,
      %add3A_439 = arith.addi %broadcast_in_dim3A, %get3A_438 : vector<16xi32>
      %gather3A_440 = tpu.vector_load_idx %arg5[%add3A_439] : memref<32768xf32, #tpu.memory_space<vmem>>[vector<16xi32>], vector<16xf32>,
      %mul3A_441 = arith.constant 1024 : i32
      %mul3A_442 = arith.muli %scan3A_47, %mul3A_441 : i32
      %add3A_443 = arith.constant 624 : i32
      %add3A_444 = arith.addi %mul3A_442, %add3A_443 : i32
      %swap3A_445 = arith.index_cast %add3A_444 : i32 to index
      %swap3A_446 = tpu.vector_load %arg7[%swap3A_445] {strides = array<i32>} : memref<32768xf32, #tpu.memory_space<vmem>>, vector<16xf32>,
      tpu.vector_store %arg7[%swap3A_445], %gather3A_440 {strides = array<i32>} : memref<32768xf32, #tpu.memory_space<vmem>>, vector<16xf32>,
      %get3A_447 = arith.constant 640 : index
      %get3A_448 = tpu.vector_load %arg6[%get3A_447] {strides = array<i32>} : memref<1024xi32, #tpu.memory_space<vmem>>, vector<16xi32>,
      %add3A_449 = arith.addi %broadcast_in_dim3A, %get3A_448 : vector<16xi32>
      %gather3A_450 = tpu.vector_load_idx %arg5[%add3A_449] : memref<32768xf32, #tpu.memory_space<vmem>>[vector<16xi32>], vector<16xf32>,
      %mul3A_451 = arith.constant 1024 : i32
      %mul3A_452 = arith.muli %scan3A_47, %mul3A_451 : i32
      %add3A_453 = arith.constant 640 : i32
      %add3A_454 = arith.addi %mul3A_452, %add3A_453 : i32
      %swap3A_455 = arith.index_cast %add3A_454 : i32 to index
      %swap3A_456 = tpu.vector_load %arg7[%swap3A_455] {strides = array<i32>} : memref<32768xf32, #tpu.memory_space<vmem>>, vector<16xf32>,
      tpu.vector_store %arg7[%swap3A_455], %gather3A_450 {strides = array<i32>} : memref<32768xf32, #tpu.memory_space<vmem>>, vector<16xf32>,
      %get3A_457 = arith.constant 656 : index
      %get3A_458 = tpu.vector_load %arg6[%get3A_457] {strides = array<i32>} : memref<1024xi32, #tpu.memory_space<vmem>>, vector<16xi32>,
      %add3A_459 = arith.addi %broadcast_in_dim3A, %get3A_458 : vector<16xi32>
      %gather3A_460 = tpu.vector_load_idx %arg5[%add3A_459] : memref<32768xf32, #tpu.memory_space<vmem>>[vector<16xi32>], vector<16xf32>,
      %mul3A_461 = arith.constant 1024 : i32
      %mul3A_462 = arith.muli %scan3A_47, %mul3A_461 : i32
      %add3A_463 = arith.constant 656 : i32
      %add3A_464 = arith.addi %mul3A_462, %add3A_463 : i32
      %swap3A_465 = arith.index_cast %add3A_464 : i32 to index
      %swap3A_466 = tpu.vector_load %arg7[%swap3A_465] {strides = array<i32>} : memref<32768xf32, #tpu.memory_space<vmem>>, vector<16xf32>,
      tpu.vector_store %arg7[%swap3A_465], %gather3A_460 {strides = array<i32>} : memref<32768xf32, #tpu.memory_space<vmem>>, vector<16xf32>,
      %get3A_467 = arith.constant 672 : index
      %get3A_468 = tpu.vector_load %arg6[%get3A_467] {strides = array<i32>} : memref<1024xi32, #tpu.memory_space<vmem>>, vector<16xi32>,
      %add3A_469 = arith.addi %broadcast_in_dim3A, %get3A_468 : vector<16xi32>
      %gather3A_470 = tpu.vector_load_idx %arg5[%add3A_469] : memref<32768xf32, #tpu.memory_space<vmem>>[vector<16xi32>], vector<16xf32>,
      %mul3A_471 = arith.constant 1024 : i32
      %mul3A_472 = arith.muli %scan3A_47, %mul3A_471 : i32
      %add3A_473 = arith.constant 672 : i32
      %add3A_474 = arith.addi %mul3A_472, %add3A_473 : i32
      %swap3A_475 = arith.index_cast %add3A_474 : i32 to index
      %swap3A_476 = tpu.vector_load %arg7[%swap3A_475] {strides = array<i32>} : memref<32768xf32, #tpu.memory_space<vmem>>, vector<16xf32>,
      tpu.vector_store %arg7[%swap3A_475], %gather3A_470 {strides = array<i32>} : memref<32768xf32, #tpu.memory_space<vmem>>, vector<16xf32>,
      %get3A_477 = arith.constant 688 : index
      %get3A_478 = tpu.vector_load %arg6[%get3A_477] {strides = array<i32>} : memref<1024xi32, #tpu.memory_space<vmem>>, vector<16xi32>,
      %add3A_479 = arith.addi %broadcast_in_dim3A, %get3A_478 : vector<16xi32>
      %gather3A_480 = tpu.vector_load_idx %arg5[%add3A_479] : memref<32768xf32, #tpu.memory_space<vmem>>[vector<16xi32>], vector<16xf32>,
      %mul3A_481 = arith.constant 1024 : i32
      %mul3A_482 = arith.muli %scan3A_47, %mul3A_481 : i32
      %add3A_483 = arith.constant 688 : i32
      %add3A_484 = arith.addi %mul3A_482, %add3A_483 : i32
      %swap3A_485 = arith.index_cast %add3A_484 : i32 to index
      %swap3A_486 = tpu.vector_load %arg7[%swap3A_485] {strides = array<i32>} : memref<32768xf32, #tpu.memory_space<vmem>>, vector<16xf32>,
      tpu.vector_store %arg7[%swap3A_485], %gather3A_480 {strides = array<i32>} : memref<32768xf32, #tpu.memory_space<vmem>>, vector<16xf32>,
      %get3A_487 = arith.constant 704 : index
      %get3A_488 = tpu.vector_load %arg6[%get3A_487] {strides = array<i32>} : memref<1024xi32, #tpu.memory_space<vmem>>, vector<16xi32>,
      %add3A_489 = arith.addi %broadcast_in_dim3A, %get3A_488 : vector<16xi32>
      %gather3A_490 = tpu.vector_load_idx %arg5[%add3A_489] : memref<32768xf32, #tpu.memory_space<vmem>>[vector<16xi32>], vector<16xf32>,
      %mul3A_491 = arith.constant 1024 : i32
      %mul3A_492 = arith.muli %scan3A_47, %mul3A_491 : i32
      %add3A_493 = arith.constant 704 : i32
      %add3A_494 = arith.addi %mul3A_492, %add3A_493 : i32
      %swap3A_495 = arith.index_cast %add3A_494 : i32 to index
      %swap3A_496 = tpu.vector_load %arg7[%swap3A_495] {strides = array<i32>} : memref<32768xf32, #tpu.memory_space<vmem>>, vector<16xf32>,
      tpu.vector_store %arg7[%swap3A_495], %gather3A_490 {strides = array<i32>} : memref<32768xf32, #tpu.memory_space<vmem>>, vector<16xf32>,
      %get3A_497 = arith.constant 720 : index
      %get3A_498 = tpu.vector_load %arg6[%get3A_497] {strides = array<i32>} : memref<1024xi32, #tpu.memory_space<vmem>>, vector<16xi32>,
      %add3A_499 = arith.addi %broadcast_in_dim3A, %get3A_498 : vector<16xi32>
      %gather3A_500 = tpu.vector_load_idx %arg5[%add3A_499] : memref<32768xf32, #tpu.memory_space<vmem>>[vector<16xi32>], vector<16xf32>,
      %mul3A_501 = arith.constant 1024 : i32
      %mul3A_502 = arith.muli %scan3A_47, %mul3A_501 : i32
      %add3A_503 = arith.constant 720 : i32
      %add3A_504 = arith.addi %mul3A_502, %add3A_503 : i32
      %swap3A_505 = arith.index_cast %add3A_504 : i32 to index
      %swap3A_506 = tpu.vector_load %arg7[%swap3A_505] {strides = array<i32>} : memref<32768xf32, #tpu.memory_space<vmem>>, vector<16xf32>,
      tpu.vector_store %arg7[%swap3A_505], %gather3A_500 {strides = array<i32>} : memref<32768xf32, #tpu.memory_space<vmem>>, vector<16xf32>,
      %get3A_507 = arith.constant 736 : index
      %get3A_508 = tpu.vector_load %arg6[%get3A_507] {strides = array<i32>} : memref<1024xi32, #tpu.memory_space<vmem>>, vector<16xi32>,
      %add3A_509 = arith.addi %broadcast_in_dim3A, %get3A_508 : vector<16xi32>
      %gather3A_510 = tpu.vector_load_idx %arg5[%add3A_509] : memref<32768xf32, #tpu.memory_space<vmem>>[vector<16xi32>], vector<16xf32>,
      %mul3A_511 = arith.constant 1024 : i32
      %mul3A_512 = arith.muli %scan3A_47, %mul3A_511 : i32
      %add3A_513 = arith.constant 736 : i32
      %add3A_514 = arith.addi %mul3A_512, %add3A_513 : i32
      %swap3A_515 = arith.index_cast %add3A_514 : i32 to index
      %swap3A_516 = tpu.vector_load %arg7[%swap3A_515] {strides = array<i32>} : memref<32768xf32, #tpu.memory_space<vmem>>, vector<16xf32>,
      tpu.vector_store %arg7[%swap3A_515], %gather3A_510 {strides = array<i32>} : memref<32768xf32, #tpu.memory_space<vmem>>, vector<16xf32>,
      %get3A_517 = arith.constant 752 : index
      %get3A_518 = tpu.vector_load %arg6[%get3A_517] {strides = array<i32>} : memref<1024xi32, #tpu.memory_space<vmem>>, vector<16xi32>,
      %add3A_519 = arith.addi %broadcast_in_dim3A, %get3A_518 : vector<16xi32>
      %gather3A_520 = tpu.vector_load_idx %arg5[%add3A_519] : memref<32768xf32, #tpu.memory_space<vmem>>[vector<16xi32>], vector<16xf32>,
      %mul3A_521 = arith.constant 1024 : i32
      %mul3A_522 = arith.muli %scan3A_47, %mul3A_521 : i32
      %add3A_523 = arith.constant 752 : i32
      %add3A_524 = arith.addi %mul3A_522, %add3A_523 : i32
      %swap3A_525 = arith.index_cast %add3A_524 : i32 to index
      %swap3A_526 = tpu.vector_load %arg7[%swap3A_525] {strides = array<i32>} : memref<32768xf32, #tpu.memory_space<vmem>>, vector<16xf32>,
      tpu.vector_store %arg7[%swap3A_525], %gather3A_520 {strides = array<i32>} : memref<32768xf32, #tpu.memory_space<vmem>>, vector<16xf32>,
      %get3A_527 = arith.constant 768 : index
      %get3A_528 = tpu.vector_load %arg6[%get3A_527] {strides = array<i32>} : memref<1024xi32, #tpu.memory_space<vmem>>, vector<16xi32>,
      %add3A_529 = arith.addi %broadcast_in_dim3A, %get3A_528 : vector<16xi32>
      %gather3A_530 = tpu.vector_load_idx %arg5[%add3A_529] : memref<32768xf32, #tpu.memory_space<vmem>>[vector<16xi32>], vector<16xf32>,
      %mul3A_531 = arith.constant 1024 : i32
      %mul3A_532 = arith.muli %scan3A_47, %mul3A_531 : i32
      %add3A_533 = arith.constant 768 : i32
      %add3A_534 = arith.addi %mul3A_532, %add3A_533 : i32
      %swap3A_535 = arith.index_cast %add3A_534 : i32 to index
      %swap3A_536 = tpu.vector_load %arg7[%swap3A_535] {strides = array<i32>} : memref<32768xf32, #tpu.memory_space<vmem>>, vector<16xf32>,
      tpu.vector_store %arg7[%swap3A_535], %gather3A_530 {strides = array<i32>} : memref<32768xf32, #tpu.memory_space<vmem>>, vector<16xf32>,
      %get3A_537 = arith.constant 784 : index
      %get3A_538 = tpu.vector_load %arg6[%get3A_537] {strides = array<i32>} : memref<1024xi32, #tpu.memory_space<vmem>>, vector<16xi32>,
      %add3A_539 = arith.addi %broadcast_in_dim3A, %get3A_538 : vector<16xi32>
      %gather3A_540 = tpu.vector_load_idx %arg5[%add3A_539] : memref<32768xf32, #tpu.memory_space<vmem>>[vector<16xi32>], vector<16xf32>,
      %mul3A_541 = arith.constant 1024 : i32
      %mul3A_542 = arith.muli %scan3A_47, %mul3A_541 : i32
      %add3A_543 = arith.constant 784 : i32
      %add3A_544 = arith.addi %mul3A_542, %add3A_543 : i32
      %swap3A_545 = arith.index_cast %add3A_544 : i32 to index
      %swap3A_546 = tpu.vector_load %arg7[%swap3A_545] {strides = array<i32>} : memref<32768xf32, #tpu.memory_space<vmem>>, vector<16xf32>,
      tpu.vector_store %arg7[%swap3A_545], %gather3A_540 {strides = array<i32>} : memref<32768xf32, #tpu.memory_space<vmem>>, vector<16xf32>,
      %get3A_547 = arith.constant 800 : index
      %get3A_548 = tpu.vector_load %arg6[%get3A_547] {strides = array<i32>} : memref<1024xi32, #tpu.memory_space<vmem>>, vector<16xi32>,
      %add3A_549 = arith.addi %broadcast_in_dim3A, %get3A_548 : vector<16xi32>
      %gather3A_550 = tpu.vector_load_idx %arg5[%add3A_549] : memref<32768xf32, #tpu.memory_space<vmem>>[vector<16xi32>], vector<16xf32>,
      %mul3A_551 = arith.constant 1024 : i32
      %mul3A_552 = arith.muli %scan3A_47, %mul3A_551 : i32
      %add3A_553 = arith.constant 800 : i32
      %add3A_554 = arith.addi %mul3A_552, %add3A_553 : i32
      %swap3A_555 = arith.index_cast %add3A_554 : i32 to index
      %swap3A_556 = tpu.vector_load %arg7[%swap3A_555] {strides = array<i32>} : memref<32768xf32, #tpu.memory_space<vmem>>, vector<16xf32>,
      tpu.vector_store %arg7[%swap3A_555], %gather3A_550 {strides = array<i32>} : memref<32768xf32, #tpu.memory_space<vmem>>, vector<16xf32>,
      %get3A_557 = arith.constant 816 : index
      %get3A_558 = tpu.vector_load %arg6[%get3A_557] {strides = array<i32>} : memref<1024xi32, #tpu.memory_space<vmem>>, vector<16xi32>,
      %add3A_559 = arith.addi %broadcast_in_dim3A, %get3A_558 : vector<16xi32>
      %gather3A_560 = tpu.vector_load_idx %arg5[%add3A_559] : memref<32768xf32, #tpu.memory_space<vmem>>[vector<16xi32>], vector<16xf32>,
      %mul3A_561 = arith.constant 1024 : i32
      %mul3A_562 = arith.muli %scan3A_47, %mul3A_561 : i32
      %add3A_563 = arith.constant 816 : i32
      %add3A_564 = arith.addi %mul3A_562, %add3A_563 : i32
      %swap3A_565 = arith.index_cast %add3A_564 : i32 to index
      %swap3A_566 = tpu.vector_load %arg7[%swap3A_565] {strides = array<i32>} : memref<32768xf32, #tpu.memory_space<vmem>>, vector<16xf32>,
      tpu.vector_store %arg7[%swap3A_565], %gather3A_560 {strides = array<i32>} : memref<32768xf32, #tpu.memory_space<vmem>>, vector<16xf32>,
      %get3A_567 = arith.constant 832 : index
      %get3A_568 = tpu.vector_load %arg6[%get3A_567] {strides = array<i32>} : memref<1024xi32, #tpu.memory_space<vmem>>, vector<16xi32>,
      %add3A_569 = arith.addi %broadcast_in_dim3A, %get3A_568 : vector<16xi32>
      %gather3A_570 = tpu.vector_load_idx %arg5[%add3A_569] : memref<32768xf32, #tpu.memory_space<vmem>>[vector<16xi32>], vector<16xf32>,
      %mul3A_571 = arith.constant 1024 : i32
      %mul3A_572 = arith.muli %scan3A_47, %mul3A_571 : i32
      %add3A_573 = arith.constant 832 : i32
      %add3A_574 = arith.addi %mul3A_572, %add3A_573 : i32
      %swap3A_575 = arith.index_cast %add3A_574 : i32 to index
      %swap3A_576 = tpu.vector_load %arg7[%swap3A_575] {strides = array<i32>} : memref<32768xf32, #tpu.memory_space<vmem>>, vector<16xf32>,
      tpu.vector_store %arg7[%swap3A_575], %gather3A_570 {strides = array<i32>} : memref<32768xf32, #tpu.memory_space<vmem>>, vector<16xf32>,
      %get3A_577 = arith.constant 848 : index
      %get3A_578 = tpu.vector_load %arg6[%get3A_577] {strides = array<i32>} : memref<1024xi32, #tpu.memory_space<vmem>>, vector<16xi32>,
      %add3A_579 = arith.addi %broadcast_in_dim3A, %get3A_578 : vector<16xi32>
      %gather3A_580 = tpu.vector_load_idx %arg5[%add3A_579] : memref<32768xf32, #tpu.memory_space<vmem>>[vector<16xi32>], vector<16xf32>,
      %mul3A_581 = arith.constant 1024 : i32
      %mul3A_582 = arith.muli %scan3A_47, %mul3A_581 : i32
      %add3A_583 = arith.constant 848 : i32
      %add3A_584 = arith.addi %mul3A_582, %add3A_583 : i32
      %swap3A_585 = arith.index_cast %add3A_584 : i32 to index
      %swap3A_586 = tpu.vector_load %arg7[%swap3A_585] {strides = array<i32>} : memref<32768xf32, #tpu.memory_space<vmem>>, vector<16xf32>,
      tpu.vector_store %arg7[%swap3A_585], %gather3A_580 {strides = array<i32>} : memref<32768xf32, #tpu.memory_space<vmem>>, vector<16xf32>,
      %get3A_587 = arith.constant 864 : index
      %get3A_588 = tpu.vector_load %arg6[%get3A_587] {strides = array<i32>} : memref<1024xi32, #tpu.memory_space<vmem>>, vector<16xi32>,
      %add3A_589 = arith.addi %broadcast_in_dim3A, %get3A_588 : vector<16xi32>
      %gather3A_590 = tpu.vector_load_idx %arg5[%add3A_589] : memref<32768xf32, #tpu.memory_space<vmem>>[vector<16xi32>], vector<16xf32>,
      %mul3A_591 = arith.constant 1024 : i32
      %mul3A_592 = arith.muli %scan3A_47, %mul3A_591 : i32
      %add3A_593 = arith.constant 864 : i32
      %add3A_594 = arith.addi %mul3A_592, %add3A_593 : i32
      %swap3A_595 = arith.index_cast %add3A_594 : i32 to index
      %swap3A_596 = tpu.vector_load %arg7[%swap3A_595] {strides = array<i32>} : memref<32768xf32, #tpu.memory_space<vmem>>, vector<16xf32>,
      tpu.vector_store %arg7[%swap3A_595], %gather3A_590 {strides = array<i32>} : memref<32768xf32, #tpu.memory_space<vmem>>, vector<16xf32>,
      %get3A_597 = arith.constant 880 : index
      %get3A_598 = tpu.vector_load %arg6[%get3A_597] {strides = array<i32>} : memref<1024xi32, #tpu.memory_space<vmem>>, vector<16xi32>,
      %add3A_599 = arith.addi %broadcast_in_dim3A, %get3A_598 : vector<16xi32>
      %gather3A_600 = tpu.vector_load_idx %arg5[%add3A_599] : memref<32768xf32, #tpu.memory_space<vmem>>[vector<16xi32>], vector<16xf32>,
      %mul3A_601 = arith.constant 1024 : i32
      %mul3A_602 = arith.muli %scan3A_47, %mul3A_601 : i32
      %add3A_603 = arith.constant 880 : i32
      %add3A_604 = arith.addi %mul3A_602, %add3A_603 : i32
      %swap3A_605 = arith.index_cast %add3A_604 : i32 to index
      %swap3A_606 = tpu.vector_load %arg7[%swap3A_605] {strides = array<i32>} : memref<32768xf32, #tpu.memory_space<vmem>>, vector<16xf32>,
      tpu.vector_store %arg7[%swap3A_605], %gather3A_600 {strides = array<i32>} : memref<32768xf32, #tpu.memory_space<vmem>>, vector<16xf32>,
      %get3A_607 = arith.constant 896 : index
      %get3A_608 = tpu.vector_load %arg6[%get3A_607] {strides = array<i32>} : memref<1024xi32, #tpu.memory_space<vmem>>, vector<16xi32>,
      %add3A_609 = arith.addi %broadcast_in_dim3A, %get3A_608 : vector<16xi32>
      %gather3A_610 = tpu.vector_load_idx %arg5[%add3A_609] : memref<32768xf32, #tpu.memory_space<vmem>>[vector<16xi32>], vector<16xf32>,
      %mul3A_611 = arith.constant 1024 : i32
      %mul3A_612 = arith.muli %scan3A_47, %mul3A_611 : i32
      %add3A_613 = arith.constant 896 : i32
      %add3A_614 = arith.addi %mul3A_612, %add3A_613 : i32
      %swap3A_615 = arith.index_cast %add3A_614 : i32 to index
      %swap3A_616 = tpu.vector_load %arg7[%swap3A_615] {strides = array<i32>} : memref<32768xf32, #tpu.memory_space<vmem>>, vector<16xf32>,
      tpu.vector_store %arg7[%swap3A_615], %gather3A_610 {strides = array<i32>} : memref<32768xf32, #tpu.memory_space<vmem>>, vector<16xf32>,
      %get3A_617 = arith.constant 912 : index
      %get3A_618 = tpu.vector_load %arg6[%get3A_617] {strides = array<i32>} : memref<1024xi32, #tpu.memory_space<vmem>>, vector<16xi32>,
      %add3A_619 = arith.addi %broadcast_in_dim3A, %get3A_618 : vector<16xi32>
      %gather3A_620 = tpu.vector_load_idx %arg5[%add3A_619] : memref<32768xf32, #tpu.memory_space<vmem>>[vector<16xi32>], vector<16xf32>,
      %mul3A_621 = arith.constant 1024 : i32
      %mul3A_622 = arith.muli %scan3A_47, %mul3A_621 : i32
      %add3A_623 = arith.constant 912 : i32
      %add3A_624 = arith.addi %mul3A_622, %add3A_623 : i32
      %swap3A_625 = arith.index_cast %add3A_624 : i32 to index
      %swap3A_626 = tpu.vector_load %arg7[%swap3A_625] {strides = array<i32>} : memref<32768xf32, #tpu.memory_space<vmem>>, vector<16xf32>,
      tpu.vector_store %arg7[%swap3A_625], %gather3A_620 {strides = array<i32>} : memref<32768xf32, #tpu.memory_space<vmem>>, vector<16xf32>,
      %get3A_627 = arith.constant 928 : index
      %get3A_628 = tpu.vector_load %arg6[%get3A_627] {strides = array<i32>} : memref<1024xi32, #tpu.memory_space<vmem>>, vector<16xi32>,
      %add3A_629 = arith.addi %broadcast_in_dim3A, %get3A_628 : vector<16xi32>
      %gather3A_630 = tpu.vector_load_idx %arg5[%add3A_629] : memref<32768xf32, #tpu.memory_space<vmem>>[vector<16xi32>], vector<16xf32>,
      %mul3A_631 = arith.constant 1024 : i32
      %mul3A_632 = arith.muli %scan3A_47, %mul3A_631 : i32
      %add3A_633 = arith.constant 928 : i32
      %add3A_634 = arith.addi %mul3A_632, %add3A_633 : i32
      %swap3A_635 = arith.index_cast %add3A_634 : i32 to index
      %swap3A_636 = tpu.vector_load %arg7[%swap3A_635] {strides = array<i32>} : memref<32768xf32, #tpu.memory_space<vmem>>, vector<16xf32>,
      tpu.vector_store %arg7[%swap3A_635], %gather3A_630 {strides = array<i32>} : memref<32768xf32, #tpu.memory_space<vmem>>, vector<16xf32>,
      %get3A_637 = arith.constant 944 : index
      %get3A_638 = tpu.vector_load %arg6[%get3A_637] {strides = array<i32>} : memref<1024xi32, #tpu.memory_space<vmem>>, vector<16xi32>,
      %add3A_639 = arith.addi %broadcast_in_dim3A, %get3A_638 : vector<16xi32>
      %gather3A_640 = tpu.vector_load_idx %arg5[%add3A_639] : memref<32768xf32, #tpu.memory_space<vmem>>[vector<16xi32>], vector<16xf32>,
      %mul3A_641 = arith.constant 1024 : i32
      %mul3A_642 = arith.muli %scan3A_47, %mul3A_641 : i32
      %add3A_643 = arith.constant 944 : i32
      %add3A_644 = arith.addi %mul3A_642, %add3A_643 : i32
      %swap3A_645 = arith.index_cast %add3A_644 : i32 to index
      %swap3A_646 = tpu.vector_load %arg7[%swap3A_645] {strides = array<i32>} : memref<32768xf32, #tpu.memory_space<vmem>>, vector<16xf32>,
      tpu.vector_store %arg7[%swap3A_645], %gather3A_640 {strides = array<i32>} : memref<32768xf32, #tpu.memory_space<vmem>>, vector<16xf32>,
      %get3A_647 = arith.constant 960 : index
      %get3A_648 = tpu.vector_load %arg6[%get3A_647] {strides = array<i32>} : memref<1024xi32, #tpu.memory_space<vmem>>, vector<16xi32>,
      %add3A_649 = arith.addi %broadcast_in_dim3A, %get3A_648 : vector<16xi32>
      %gather3A_650 = tpu.vector_load_idx %arg5[%add3A_649] : memref<32768xf32, #tpu.memory_space<vmem>>[vector<16xi32>], vector<16xf32>,
      %mul3A_651 = arith.constant 1024 : i32
      %mul3A_652 = arith.muli %scan3A_47, %mul3A_651 : i32
      %add3A_653 = arith.constant 960 : i32
      %add3A_654 = arith.addi %mul3A_652, %add3A_653 : i32
      %swap3A_655 = arith.index_cast %add3A_654 : i32 to index
      %swap3A_656 = tpu.vector_load %arg7[%swap3A_655] {strides = array<i32>} : memref<32768xf32, #tpu.memory_space<vmem>>, vector<16xf32>,
      tpu.vector_store %arg7[%swap3A_655], %gather3A_650 {strides = array<i32>} : memref<32768xf32, #tpu.memory_space<vmem>>, vector<16xf32>,
      %get3A_657 = arith.constant 976 : index
      %get3A_658 = tpu.vector_load %arg6[%get3A_657] {strides = array<i32>} : memref<1024xi32, #tpu.memory_space<vmem>>, vector<16xi32>,
      %add3A_659 = arith.addi %broadcast_in_dim3A, %get3A_658 : vector<16xi32>
      %gather3A_660 = tpu.vector_load_idx %arg5[%add3A_659] : memref<32768xf32, #tpu.memory_space<vmem>>[vector<16xi32>], vector<16xf32>,
      %mul3A_661 = arith.constant 1024 : i32
      %mul3A_662 = arith.muli %scan3A_47, %mul3A_661 : i32
      %add3A_663 = arith.constant 976 : i32
      %add3A_664 = arith.addi %mul3A_662, %add3A_663 : i32
      %swap3A_665 = arith.index_cast %add3A_664 : i32 to index
      %swap3A_666 = tpu.vector_load %arg7[%swap3A_665] {strides = array<i32>} : memref<32768xf32, #tpu.memory_space<vmem>>, vector<16xf32>,
      tpu.vector_store %arg7[%swap3A_665], %gather3A_660 {strides = array<i32>} : memref<32768xf32, #tpu.memory_space<vmem>>, vector<16xf32>,
      %get3A_667 = arith.constant 992 : index
      %get3A_668 = tpu.vector_load %arg6[%get3A_667] {strides = array<i32>} : memref<1024xi32, #tpu.memory_space<vmem>>, vector<16xi32>,
      %add3A_669 = arith.addi %broadcast_in_dim3A, %get3A_668 : vector<16xi32>
      %gather3A_670 = tpu.vector_load_idx %arg5[%add3A_669] : memref<32768xf32, #tpu.memory_space<vmem>>[vector<16xi32>], vector<16xf32>,
      %mul3A_671 = arith.constant 1024 : i32
      %mul3A_672 = arith.muli %scan3A_47, %mul3A_671 : i32
      %add3A_673 = arith.constant 992 : i32
      %add3A_674 = arith.addi %mul3A_672, %add3A_673 : i32
      %swap3A_675 = arith.index_cast %add3A_674 : i32 to index
      %swap3A_676 = tpu.vector_load %arg7[%swap3A_675] {strides = array<i32>} : memref<32768xf32, #tpu.memory_space<vmem>>, vector<16xf32>,
      tpu.vector_store %arg7[%swap3A_675], %gather3A_670 {strides = array<i32>} : memref<32768xf32, #tpu.memory_space<vmem>>, vector<16xf32>,
      %get3A_677 = arith.constant 1008 : index
      %get3A_678 = tpu.vector_load %arg6[%get3A_677] {strides = array<i32>} : memref<1024xi32, #tpu.memory_space<vmem>>, vector<16xi32>,
      %add3A_679 = arith.addi %broadcast_in_dim3A, %get3A_678 : vector<16xi32>
      %gather3A_680 = tpu.vector_load_idx %arg5[%add3A_679] : memref<32768xf32, #tpu.memory_space<vmem>>[vector<16xi32>], vector<16xf32>,
      %mul3A_681 = arith.constant 1024 : i32
      %mul3A_682 = arith.muli %scan3A_47, %mul3A_681 : i32
      %add3A_683 = arith.constant 1008 : i32
      %add3A_684 = arith.addi %mul3A_682, %add3A_683 : i32
      %swap3A_685 = arith.index_cast %add3A_684 : i32 to index
      %swap3A_686 = tpu.vector_load %arg7[%swap3A_685] {strides = array<i32>} : memref<32768xf32, #tpu.memory_space<vmem>>, vector<16xf32>,
      tpu.vector_store %arg7[%swap3A_685], %gather3A_680 {strides = array<i32>} : memref<32768xf32, #tpu.memory_space<vmem>>, vector<16xf32>,
    }
    %scan3A_39 = arith.constant 32 : i32
    %mul3A_40 = arith.constant 64 : i32
    %mul3A_41 = arith.muli %select_n3A, %mul3A_40 : i32
    %mul3A_42 = arith.constant 32 : i32
    %mul3A_43 = arith.muli %select_n3A_30, %mul3A_42 : i32
    %add3A_44 = arith.addi %mul3A_41, %mul3A_43 : i32
    %mul3A_45 = arith.constant 1024 : i32
    %mul3A_46 = arith.muli %add3A_44, %mul3A_45 : i32
    "tpu.region"() ({
      %run_scoped3A = tpu.sem_alloc : memref<!tpu.dma_semaphore, #tpu.memory_space<semaphore_mem>>
      %dma_start3A = tpu.memref_slice %arg4[%mul3A_46] : memref<1048576xf32, #tpu.memory_space<hbm>> -> memref<32768xf32, #tpu.memory_space<hbm>>
      %dma_start3A_47 = tpu.memref_slice %arg4[%mul3A_46] : memref<1048576xf32, #tpu.memory_space<hbm>> -> memref<32768xf32, #tpu.memory_space<hbm>>
      tpu.enqueue_dma source(%arg7 : memref<32768xf32, #tpu.memory_space<vmem>>) target(%dma_start3A_47 : memref<32768xf32, #tpu.memory_space<hbm>>) target_semaphore(%run_scoped3A : memref<!tpu.dma_semaphore, #tpu.memory_space<semaphore_mem>>)
      %dma_wait3A = tpu.memref_slice %arg4[%mul3A_46] : memref<1048576xf32, #tpu.memory_space<hbm>> -> memref<32768xf32, #tpu.memory_space<hbm>>
      %dma_wait3A_48 = tpu.memref_slice %arg4[%mul3A_46] : memref<1048576xf32, #tpu.memory_space<hbm>> -> memref<32768xf32, #tpu.memory_space<hbm>>
      tpu.wait_dma2 semaphore(%run_scoped3A : memref<!tpu.dma_semaphore, #tpu.memory_space<semaphore_mem>>) src(%arg7 : memref<32768xf32, #tpu.memory_space<vmem>>) dst(%dma_wait3A_48 : memref<32768xf32, #tpu.memory_space<hbm>>)
      tpu.yield
    }) : () -> ()
    return
  }
}

module attributes {stable_mosaic.version = 14 : i64} {
  func.func @_vq_codes_kernel(%arg0: i32, %arg1: memref<2x64x1024xf32, #tpu.memory_space<vmem>>, %arg2: memref<1024x64xf32, #tpu.memory_space<vmem>>, %arg3: memref<1x1024xf32, #tpu.memory_space<vmem>>, %arg4: memref<1x1024xf32, #tpu.memory_space<vmem>>, %arg5: memref<1x1x2048xi32, #tpu.memory_space<vmem>>, %arg6: memref<1x1x1xf32, #tpu.memory_space<smem>>) attributes {dimension_semantics = [#tpu.dimension_semantics<parallel>], iteration_bounds = array<i64: 8>, scalar_prefetch = 0 : i64, scratch_operands = 0 : i64, tpu.core_type = #tpu.core_type<tc>, window_params = [{transform_indices = @transform_0, window_bounds = array<i64: 2, 64, 1024>}, {pipeline_mode = #tpu.pipeline_mode<synchronous>, transform_indices = @transform_1, window_bounds = array<i64: 1024, 64>}, {pipeline_mode = #tpu.pipeline_mode<synchronous>, transform_indices = @transform_2, window_bounds = array<i64: 1, 1024>}, {pipeline_mode = #tpu.pipeline_mode<synchronous>, transform_indices = @transform_3, window_bounds = array<i64: 1, 1024>}, {transform_indices = @transform_4, window_bounds = array<i64: 1, 1, 2048>}, {transform_indices = @transform_5, window_bounds = array<i64: 1, 1, 1>}]} {
    %get3A = arith.constant 0 : index
    %get3A_0 = arith.constant 0 : index
    %get3A_1 = arith.constant 0 : index
    %get3A_2 = vector.load %arg1[%get3A, %get3A_0, %get3A_1] : memref<2x64x1024xf32, #tpu.memory_space<vmem>>, vector<2x64x1024xf32>
    %get3A_3 = arith.constant 0 : index
    %get3A_4 = arith.constant 0 : index
    %get3A_5 = vector.load %arg2[%get3A_3, %get3A_4] : memref<1024x64xf32, #tpu.memory_space<vmem>>, vector<1024x64xf32>
    %transpose3A = tpu.transpose %get3A_2, [0, 2, 1] : vector<2x64x1024xf32> -> vector<2x1024x64xf32>
    %reshape3A = vector.shape_cast %transpose3A : vector<2x1024x64xf32> to vector<2048x64xf32>
    %add3A = arith.addf %get3A_5, %get3A_5 : vector<1024x64xf32>
    %dot_general3A = arith.constant dense<0.000000e+00> : vector<2048x1024xf32>
    %dot_general3A_6 = tpu.matmul %reshape3A, %add3A, %dot_general3A {dimension_numbers = #tpu.dot_dimension_numbers<[1], [1], [0], [0], [0, 0, 1, 0], [], []>, transpose_lhs_hint = false} : vector<2048x64xf32>, vector<1024x64xf32>, vector<2048x1024xf32> -> vector<2048x1024xf32>
    %mul3A = arith.mulf %reshape3A, %reshape3A : vector<2048x64xf32>
    %reduce_sum3A = arith.constant dense<0.000000e+00> : vector<2048xf32>
    %reduce_sum3A_7 = vector.multi_reduction <add>, %mul3A, %reduce_sum3A [1] : vector<2048x64xf32> to vector<2048xf32>
    %broadcast_in_dim3A = vector.shape_cast %reduce_sum3A_7 : vector<2048xf32> to vector<2048x1xf32>
    %get3A_8 = arith.constant 0 : index
    %get3A_9 = arith.constant 0 : index
    %get3A_10 = vector.load %arg3[%get3A_8, %get3A_9] : memref<1x1024xf32, #tpu.memory_space<vmem>>, vector<1x1024xf32>
    %sub3A = vector.broadcast %broadcast_in_dim3A : vector<2048x1xf32> to vector<2048x1024xf32>
    %sub3A_11 = arith.subf %sub3A, %dot_general3A_6 : vector<2048x1024xf32>
    %add3A_12 = vector.broadcast %get3A_10 : vector<1x1024xf32> to vector<2048x1024xf32>
    %add3A_13 = arith.addf %sub3A_11, %add3A_12 : vector<2048x1024xf32>
    %reduce_min3A = arith.constant dense<0x7F800000> : vector<2048xf32>
    %reduce_min3A_14 = vector.multi_reduction <minimumf>, %add3A_13, %reduce_min3A [1] : vector<2048x1024xf32> to vector<2048xf32>
    %broadcast_in_dim3A_15 = vector.shape_cast %reduce_min3A_14 : vector<2048xf32> to vector<2048x1xf32>
    %get3A_16 = arith.constant 0 : index
    %get3A_17 = arith.constant 0 : index
    %get3A_18 = vector.load %arg4[%get3A_16, %get3A_17] : memref<1x1024xf32, #tpu.memory_space<vmem>>, vector<1x1024xf32>
    %eq3A = vector.broadcast %broadcast_in_dim3A_15 : vector<2048x1xf32> to vector<2048x1024xf32>
    %eq3A_19 = arith.cmpf oeq, %add3A_13, %eq3A : vector<2048x1024xf32>
    %jit3A = arith.constant 1.024000e+03 : f32
    %broadcast_in_dim3A_20 = vector.shape_cast %get3A_18 : vector<1x1024xf32> to vector<1x1024xf32>
    %broadcast_in_dim3A_21 = vector.broadcast %broadcast_in_dim3A_20 : vector<1x1024xf32> to vector<2048x1024xf32>
    %broadcast_in_dim3A_22 = vector.broadcast %jit3A : f32 to vector<2048x1024xf32>
    %select_n3A = arith.select %eq3A_19, %broadcast_in_dim3A_21, %broadcast_in_dim3A_22 : vector<2048x1024xi1>, vector<2048x1024xf32>
    %reduce_min3A_23 = arith.constant dense<0x7F800000> : vector<2048xf32>
    %reduce_min3A_24 = vector.multi_reduction <minimumf>, %select_n3A, %reduce_min3A_23 [1] : vector<2048x1024xf32> to vector<2048xf32>
    %convert_element_type3A = arith.fptosi %reduce_min3A_24 : vector<2048xf32> to vector<2048xi32>
    %swap3A = arith.constant 0 : index
    %swap3A_25 = arith.constant 0 : index
    %swap3A_26 = arith.constant 0 : index
    %swap3A_27 = vector.load %arg5[%swap3A, %swap3A_25, %swap3A_26] : memref<1x1x2048xi32, #tpu.memory_space<vmem>>, vector<1x1x2048xi32>
    %swap3A_28 = vector.shape_cast %swap3A_27 : vector<1x1x2048xi32> to vector<2048xi32>
    %swap3A_29 = vector.shape_cast %convert_element_type3A : vector<2048xi32> to vector<1x1x2048xi32>
    tpu.vector_store %arg5[%swap3A, %swap3A_25, %swap3A_26], %swap3A_29 {strides = array<i32>} : memref<1x1x2048xi32, #tpu.memory_space<vmem>>, vector<1x1x2048xi32>,
    %reduce_sum3A_30 = vector.shape_cast %broadcast_in_dim3A_15 : vector<2048x1xf32> to vector<1x2048x1xf32>
    %reduce_sum3A_31 = arith.constant dense<0.000000e+00> : vector<1xf32>
    %reduce_sum3A_32 = vector.multi_reduction <add>, %reduce_sum3A_30, %reduce_sum3A_31 [1, 2] : vector<1x2048x1xf32> to vector<1xf32>
    %reduce_sum3A_33 = vector.shape_cast %reduce_sum3A_32 : vector<1xf32> to vector<1x1x1xf32>
    %reduce_sum3A_34 = vector.extract %reduce_sum3A_33[0, 0, 0] : f32 from vector<1x1x1xf32>
    %swap3A_35 = arith.constant 0 : index
    %swap3A_36 = arith.constant 0 : index
    %swap3A_37 = arith.constant 0 : index
    %swap3A_38 = memref.load %arg6[%swap3A_35, %swap3A_36, %swap3A_37] : memref<1x1x1xf32, #tpu.memory_space<smem>>
    memref.store %reduce_sum3A_34, %arg6[%swap3A_35, %swap3A_36, %swap3A_37] : memref<1x1x1xf32, #tpu.memory_space<smem>>
    return
  }
  func.func @transform_0(%arg0: i32) -> (i32, i32, i32) {
    %c0_i32 = arith.constant 0 : i32
    %c0_i32_0 = arith.constant 0 : i32
    %c0_i32_1 = arith.constant 0 : i32
    return %arg0, %c0_i32, %c0_i32_0 : i32, i32, i32
  }
  func.func @transform_1(%arg0: i32) -> (i32, i32) {
    %c0_i32 = arith.constant 0 : i32
    %c0_i32_0 = arith.constant 0 : i32
    %c0_i32_1 = arith.constant 0 : i32
    return %c0_i32, %c0_i32_0 : i32, i32
  }
  func.func @transform_2(%arg0: i32) -> (i32, i32) {
    %c0_i32 = arith.constant 0 : i32
    %c0_i32_0 = arith.constant 0 : i32
    %c0_i32_1 = arith.constant 0 : i32
    return %c0_i32, %c0_i32_0 : i32, i32
  }
  func.func @transform_3(%arg0: i32) -> (i32, i32) {
    %c0_i32 = arith.constant 0 : i32
    %c0_i32_0 = arith.constant 0 : i32
    %c0_i32_1 = arith.constant 0 : i32
    return %c0_i32, %c0_i32_0 : i32, i32
  }
  func.func @transform_4(%arg0: i32) -> (i32, i32, i32) {
    %c0_i32 = arith.constant 0 : i32
    %c0_i32_0 = arith.constant 0 : i32
    %c0_i32_1 = arith.constant 0 : i32
    return %arg0, %c0_i32, %c0_i32_0 : i32, i32, i32
  }
  func.func @transform_5(%arg0: i32) -> (i32, i32, i32) {
    %c0_i32 = arith.constant 0 : i32
    %c0_i32_0 = arith.constant 0 : i32
    %c0_i32_1 = arith.constant 0 : i32
    return %arg0, %c0_i32, %c0_i32_0 : i32, i32, i32
  }
}

</mosaic_0001>

<sc_bundles>
// kernel: kernel.4.cloned.1.call-start
scs
__scs_entry_jumppad:
0x0: {  	(pc) =	sbr.rel $0x88, $3  }
0x1: {  	(tag) =	ssettag $0x0;
	lr =	simm.s32 $0x1  }
0x2: {  	[smem:$0x3F9F] =	sst lr;
	_ =	strace $0xD0000000  }
0x3: {  	_ = 	snop  }
0x4: {  	_ = 	snop  }
0x5: {  	_ = 	snop  }
0x6: {  	_ = 	snop  }
0x7: {  	_ = 	snop  }
__scs_overlays_trampoline_lowered:
0x8: {  	[smem:$0x3FAE] =	sst s0  }
0x9: {  	[smem:$0x3FAF] =	sst s1  }
0xa: {  	[smem:$0x3FB0] =	sst s2  }
0xb: {  	[smem:$0x3FB1] =	sst s3  }
0xc: {  	[smem:$0x3FB2] =	sst s4  }
0xd: {  	[smem:$0x3FB3] =	sst s5  }
0xe: {  	[smem:$0x3FB4] =	sst s6  }
0xf: {  	[smem:$0x3FB5] =	sst s7  }
0x10: {  	[smem:$0x3FB6] =	sst s8  }
0x11: {  	[smem:$0x3FB7] =	sst s9;
	s0 =	simm.s32 @!p0 $0x0  }
0x12: {  	s1 =	sld [smem:$0x3F9D];
	s0 =	simm.s32 @p0 $0x1  }
0x13: {  	[smem:$0x3FB8] =	sst s0;
	s0 =	simm.s32 @!p1 $0x0  }
0x14: {  	s2 =	sld [smem:$0x3F9C];
	s0 =	simm.s32 @p1 $0x1  }
0x15: {  	[smem:$0x3FB9] =	sst s0;
	s0 =	simm.s32 @!p2 $0x0  }
0x16: {  	s3 =	sld [smem:$0x3FDB];
	s0 =	simm.s32 @p2 $0x1  }
0x17: {  	s4 =	simm.s32 $0x1BF5;
	[smem:$0x3FBB] =	sst s0  }
0x18: {  	s0 =	sld [smem:$0x3F9E];
	_ =	swait.ge [sflag:s4], $0x0  }
0x19: {  	s7 =	sld [smem:$0x3F9F]  }
0x1a: {  	s8 =	sadd.s32 $0xFFFFE003, lr  }
0x1b: {  	s9 =	sadd.s32 $0xFFFFFEF7, lr;
	s5 =	simm.s32 $0xFFFFFFFF;
	p2 =	slt.u32 s8, $0xFFFFF086  }
0x1c: {  	p1 =	slt.u32 s9, $0xF7A;
	s5 =	simm.s32 @!p2 $0x0  }
0x1d: {  	s5 =	simm.s32 @p1 $0x1;
	p0 =	seq.s32 s7, s2  }
0x1e: {  	s7 =	smul.u32 @!p0 $0xF7A, s2;
	p2 =	seq.s32 @!p0 s5, $0x0  }
0x1f: {  	s9 =	smul.u32 $0xF7A, s1;
	s8 =	simm.s32 @!p0 $0x1BF5;
	p2 =	por !p2, p0  }
0x20: {  	[sflag:s8] =	ssyncset.s32 @!p0 $0xFFFFF086;
	s6 =	sadd.s32 @!p0 s3, s7;
	s7 =	simm.s32 @!p0 $0x108  }
0x21: {  	s3 =	sadd.s32 s3, s9;
	s6 =	sadd.s32 @!p0 $0x88, s6;
	s7 =	simm.s32 @p2 $0x1082  }
0x22: {  	[simem:s7], [sflag:s8] =	dma.local @!p0 [hbm:s6], $0xF7A  }
0x23: {  	s9 =	sor.u32 $0xD0000000, s2;
	s6 =	simm.s32 $0x108;
	_ =	swait.ge @!p0 [sflag:s8], $0x0  }
0x24: {  	s3 =	sadd.s32 $0x88, s3;
	s6 =	simm.s32 @!p1 $0x1082;
	[sflag:s4] =	ssyncset.s32 $0xFFFFF086  }
0x25: {  	[simem:s6], [sflag:s4] =	dma.local [hbm:s3], $0xF7A  }
0x26: {  	[smem:$0x3F9F] =	sst s1;
	(tag) =	ssettag s2;
	_ =	strace s9  }
0x27: {  	s1 =	sld [smem:$0x3FAF]  }
0x28: {  	s2 =	sld [smem:$0x3FB0]  }
0x29: {  	s4 =	sld [smem:$0x3FB2]  }
0x2a: {  	p0 =	seq.s32 s5, $0x0;
	s5 =	sld [smem:$0x3FB3]  }
0x2b: {  	s6 =	sld [smem:$0x3FB4]  }
0x2c: {  	s7 =	sld [smem:$0x3FB5]  }
0x2d: {  	s3 =	simm.s32 $0x108;
	s8 =	sld [smem:$0x3FB6]  }
0x2e: {  	s3 =	simm.s32 @!p0 $0x1082;
	s9 =	sld [smem:$0x3FB7]  }
0x2f: {  	lr =	sadd.s32 s0, s3;
	s0 =	sld [smem:$0x3FAE]  }
0x30: {  	s3 =	sld [smem:$0x3FB1]  }
0x31: {  	[smem:$0x3FBA] =	sst s10  }
0x32: {  	s10 =	sld [smem:$0x3FB8];
	_ =	sdelay $0x3  }
0x33: {  	p0 =	seq.s32 s10, $0x1;
	s10 =	sld [smem:$0x3FBA];
	_ =	sdelay $0x3  }
0x34: {  	[smem:$0x3FBA] =	sst s10  }
0x35: {  	s10 =	sld [smem:$0x3FB9];
	_ =	sdelay $0x3  }
0x36: {  	p1 =	seq.s32 s10, $0x1;
	s10 =	sld [smem:$0x3FBA];
	_ =	sdelay $0x3  }
0x37: {  	[smem:$0x3FBA] =	sst s10  }
0x38: {  	s10 =	sld [smem:$0x3FBB]  }
0x39: {  	_ = 	snop;
	(pc) =	sbr.ind lr, $3  }
0x3a: {  	_ = 	snop  }
0x3b: {  	_ = 	snop  }
0x3c: {  	p2 =	seq.s32 s10, $0x1;
	s10 =	sld [smem:$0x3FBA]  }
0x3d: {  	_ =	shalt  }
0x3e: {  	_ =	shalt  }
0x3f: {  	_ =	shalt  }
0x40: {  	_ =	shalt  }
0x41: {  	_ =	shalt  }
0x42: {  	_ =	shalt  }
0x43: {  	_ =	shalt  }
0x44: {  	_ =	shalt  }
0x45: {  	_ =	shalt  }
0x46: {  	_ =	shalt  }
0x47: {  	_ =	shalt  }
0x48: {  	_ =	shalt  }
0x49: {  	_ =	shalt  }
0x4a: {  	_ =	shalt  }
0x4b: {  	_ =	shalt  }
0x4c: {  	_ =	shalt  }
0x4d: {  	_ =	shalt  }
0x4e: {  	_ =	shalt  }
0x4f: {  	_ =	shalt  }
0x50: {  	_ =	shalt  }
0x51: {  	_ =	shalt  }
0x52: {  	_ =	shalt  }
0x53: {  	_ =	shalt  }
0x54: {  	_ =	shalt  }
0x55: {  	_ =	shalt  }
0x56: {  	_ =	shalt  }
0x57: {  	_ =	shalt  }
0x58: {  	_ =	shalt  }
0x59: {  	_ =	shalt  }
0x5a: {  	_ =	shalt  }
0x5b: {  	_ =	shalt  }
0x5c: {  	_ =	shalt  }
0x5d: {  	_ =	shalt  }
0x5e: {  	_ =	shalt  }
0x5f: {  	_ =	shalt  }
0x60: {  	_ =	shalt  }
0x61: {  	_ =	shalt  }
0x62: {  	_ =	shalt  }
0x63: {  	_ =	shalt  }
0x64: {  	_ =	shalt  }
0x65: {  	_ =	shalt  }
0x66: {  	_ =	shalt  }
0x67: {  	_ =	shalt  }
0x68: {  	_ =	shalt  }
0x69: {  	_ =	shalt  }
0x6a: {  	_ =	shalt  }
0x6b: {  	_ =	shalt  }
0x6c: {  	_ =	shalt  }
0x6d: {  	_ =	shalt  }
0x6e: {  	_ =	shalt  }
0x6f: {  	_ =	shalt  }
0x70: {  	_ =	shalt  }
0x71: {  	_ =	shalt  }
0x72: {  	_ =	shalt  }
0x73: {  	_ =	shalt  }
0x74: {  	_ =	shalt  }
0x75: {  	_ =	shalt  }
0x76: {  	_ =	shalt  }
0x77: {  	_ =	shalt  }
0x78: {  	_ =	shalt  }
0x79: {  	_ =	shalt  }
0x7a: {  	_ =	shalt  }
0x7b: {  	_ =	shalt  }
0x7c: {  	_ =	shalt  }
0x7d: {  	_ =	shalt  }
0x7e: {  	_ =	shalt  }
0x7f: {  	_ =	shalt  }
0x80: {  	_ =	shalt  }
0x81: {  	_ =	shalt  }
0x82: {  	_ =	shalt  }
0x83: {  	_ =	shalt  }
0x84: {  	_ =	shalt  }
0x85: {  	_ =	shalt  }
0x86: {  	_ =	shalt  }
0x87: {  	_ =	shalt  }
.Lfunc_end0:
.L_simem_size_0:
called_computation_lowered:
.L_overlay_start_0:
0x88: {  	s2 =	sld [smem:$0x3FD9]  }
0x89: {  	s3 =	sld [smem:$0x3FFE];
	_ =	sdelay $0x1  }
0x8a: {  	s1 =	srdreg.scid  }
0x8b: {  	s0 =	sand.u32 $0x1, s1  }
0x8c: {  	s14 =	sshll.u32 s0, $0xA;
	s2 =	sadd.s32 s3, s2  }
0x8d: {  	s2 =	sadd.s32 s2, s14  }
0x8e: {  	[smem:$0x3FC6] =	sst s2  }
0x8f: {  	_ = 	snop  }
0x90: {  	s2 =	sld [smem:$0x3FD0];
	_ =	sdelay $0x2  }
0x91: {  	s15 =	simm.s32 $0xA;
	s4 =	simm.s32 $0x10  }
0x92: {  	[smem:s4], [sflag:s15] =	dma.local [hbm:s2], $0x1  }
0x93: {  	_ =	swait.eq [sflag:s15], $0x1  }
0x94: {  	[sflag:s15] =	ssyncset.done $0x0  }
0x95: {  	s16 =	sld [smem:$0x10];
	[sflag:s15] =	ssyncadd.s32 $0xFFFFFFFF  }
0x96: {  	s17 =	sld [smem:$0x11];
	(tm) =	ssettm $0x1  }
0x97: {  	s18 =	sld [smem:$0x3FFB];
	_ =	sdelay $0x3  }
0x98: {  	_ =	strace s18  }
0x99: {  	s4 =	sld [smem:$0x3FFC];
	_ =	sdelay $0x3  }
0x9a: {  	_ =	strace s4  }
0x9b: {  	s4 =	sld [smem:$0x3FFD];
	_ =	sdelay $0x3  }
0x9c: {  	_ =	strace s4  }
0x9d: {  	_ =	strace $0x8FFFFFFF  }
0x9e: {  	s19 =	sld [smem:$0x3FDB];
	_ =	sdelay $0x1  }
0x9f: {  	s5 =	simm.s32 $_scs_section_size  }
0xa0: {  	s6 =	simm.s32 $_size__tile_overlayer_lowered;
	s7 =	simm.s32 $_tile_overlayer_lowered  }
0xa1: {  	s22 =	simm.s32 $0x1BFF;
	s21 =	sshll.u32 s7, $0x1;
	s4 =	sadd.s32 s5, s19  }
0xa2: {  	s8 =	simm.s32 $0x0;
	s20 =	sshll.u32 s6, $0x1;
	s6 =	sadd.s32 s21, s4  }
0xa3: {  	[timem:s8], [sflag:s22] =	dma.local [hbm:s6], s20  }
0xa4: {  	_ =	swait.ge [sflag:s22], s20  }
0xa5: {  	s5 =	ssub.s32 $0x0, s20;
	[sflag:s22] =	ssyncset.done $0x0  }
0xa6: {  	[sflag:s22] =	ssyncadd.s32 s5;
	_ =	sdelay $0x1  }
0xa7: {  	s23 =	simm.s32 $0x1B8B  }
0xa8: {  	_ =	swait.ge [sflag:s23], $0x1  }
0xa9: {  	[sflag:s23] =	ssyncset.done $0x0  }
0xaa: {  	s25 =	simm.s32 $0x1B8E;
	s24 =	sld [smem:$0x3FFE];
	[sflag:s23] =	ssyncadd.s32 $0xFFFFFFFF  }
0xab: {  	s26 =	simm.s32 $execute0_lowered;
	[smem:$0x3FD2] =	sst s25  }
0xac: {  	s6 =	sshll.u32 s26, $0x1;
	_ =	strace $0x80000046;
	[dreg:$0x1] =	wrdreg $0xFFFFFFFF  }
0xad: {  	s28 =	simm.s32 $_size_execute0_lowered;
	s4 =	sadd.s32 s4, s6;
	[dreg:$0x0] =	wrdreg $0x0  }
0xae: {  	s6 =	sshll.u32 s28, $0x1;
	[dreg:$0x2] =	wrdreg s4  }
0xaf: {  	[dreg:$0x3] =	wrdreg s6  }
0xb0: {  	[dreg:$0x4] =	wrdreg $0xC0  }
0xb1: {  	_ =	task [dreg:s8], $0x5FFFF  }
0xb2: {  	[dreg:$0x1] =	wrdreg $0xFFFFFFFF  }
0xb3: {  	[dreg:$0x0] =	wrdreg $0x60  }
0xb4: {  	[dreg:$0x2] =	wrdreg s24  }
0xb5: {  	[dreg:$0x3] =	wrdreg s17  }
0xb6: {  	[dreg:$0x4] =	wrdreg s16  }
0xb7: {  	[dreg:$0x5] =	wrdreg $0x9  }
0xb8: {  	_ =	task.clear_ibuf [dreg:s8], $0x6FFFF;
	_ =	strace $0x90000046  }
0xb9: {  	s29 =	simm.s32 $0x9;
	_ =	strace $0x80000048  }
0xba: {  	_ =	swait.ge [sflag:s29], $0x1  }
0xbb: {  	[sflag:s29] =	ssyncadd.s32 $0xFFFFFFFF  }
0xbc: {  	_ =	strace $0x90000048  }
0xbd: {  	_ =	sfence  }
0xbe: {  	s30 =	sld [smem:$0x0];
	_ =	sdelay $0x2  }
0xbf: {  	s31 =	sshll.u32 s1, $0xD;
	s1 =	sshrl.u32 s1, $0x2  }
0xc0: {  	s3 =	sand.u32 $0x4000, s31;
	s1 =	sadd.s32 s1, s30  }
0xc1: {  	s0 =	sor.u32 s3, s0;
	s1 =	sshll.u32 s1, $0x11  }
0xc2: {  	s0 =	sor.u32 s1, s0  }
0xc3: {  	s0 =	sadd.s32 $0x8F2B, s0  }
0xc4: {  	[sflag:s0] =	ssyncadd.remote.s32 $0x1  }
0xc5: {  	_ =	sfence.sel $0xFFFF  }
0xc6: {  	[dreg:$0x0] =	wrdreg $0xFFFFFFFF;
	(pc) =	sbr.abs _section_cstart, $3  }
0xc7: {  	[dreg:$0x1] =	wrdreg $0xFFFFFFFF  }
0xc8: {  	_ =	task.clear_ibuf [dreg:s8], $0x2FFFF;
	_ =	strace $0x9FFFFFFF  }
0xc9: {  	(tm) =	ssettm $0x7FFFFFFF  }
tec
execute0_lowered:
.L_overlay_start_1:
0x0: {  	(tag) =	ssettag $0x1  }
0x1: {  	s5 =	rddreg [dreg:$0x0]  }
0x2: {  	s1 =	srdreg.scid;
	s6 =	rddreg [dreg:$0x1]  }
0x3: {  	s0 =	stileid.u32;
	s7 =	rddreg [dreg:$0x2];
	s4 =	sand.u32 $0x1, s1  }
0x4: {  	s3 =	simm.s32 $0x1;
	s2 =	simm.s32 $0x0;
	s1 =	sor.u32 s4, s0  }
0x5: {  	[smem:$0x7FF] =	sst s2;
	p1 =	seq.s32 s4, $0x1;
	p0 =	seq.s32 s1, $0x0  }
0x6: {  	s8 =	ssub.s32 $0x2, s4;
	s12 =	sshll.u32 s4, $0xF;
	p0 =	por !p0, !p1  }
0x7: {  	s31 =	sshll.u32 s4, $0xC;
	s1 =	rddreg [dreg:$0x3];
	p0 =	por !p0, !p0  }
0x8: {  	_ =	strace $0x80000047;
	s9 =	sshrl.u32 s8, $0x1;
	s3 =	simm.s32 @!p0 $0x0  }
0x9: {  	s5 =	sadd.s32 s5, s31;
	s8 =	ssub.s32 s8, s9;
	s3 =	ssub.s32 s0, s3  }
0xa: {  	s10 =	sshll.u32 s3, $0xA;
	s29 =	sshll.u32 s3, $0x7;
	s11 =	sshll.u32 s3, $0x10  }
0xb: {  	s3 =	simm.s32 $0x1;
	s28 =	sand.u32 $0xFFFFE000, s10;
	s10 =	sand.u32 $0x380, s29  }
0xc: {  	s30 =	sor.u32 s12, s11;
	s11 =	simm.s32 $0x8400;
	s9 =	sor.u32 s10, s28  }
0xd: {  	s12 =	simm.s32 $0x0;
	s10 =	sshrl.u32 s30, $0x3;
	s9 =	sshrl.u32 s9, $0x3  }
0xe: {  	s4 =	sadd.s32 s6, s9;
	s6 =	sadd.s32 s7, s10;
	s7 =	smax.u32 s8, $0x1  }
0xf: {  	s8 =	simm.s32 $0x80;
	s9 =	simm.s32 $0x400;
	s10 =	simm.s32 $0x8000  }
.LBB2_1:
0x10: {  	[tilespmem:s10], [sflag:$0x1] =	stream.strided.gather [hbm4b:s4+s8], $0x400, s9, s8, $0x38;
	[tilespmem:$0x10400] =	vst v63  }
0x11: {  	_ =	swait.ge [sflag:s3], $0x400  }
0x12: {  	[sflag:s3] =	ssyncset.done $0x0  }
0x13: {  	[sflag:s3] =	ssyncadd.s32 $0xFFFFFC00  }
0x14: {  	[tilespmem:s2], [sflag:$0x1] =	stream.linear.gather [hbm4b:s5+s2], $0x8000, $0x38;
	[tilespmem:$0x10400] =	vst v63  }
0x15: {  	_ =	swait.ge [sflag:s3], $0x8000  }
0x16: {  	[sflag:s3] =	ssyncset.done $0x0  }
0x17: {  	s13 =	simm.s32 $0x8600;
	s14 =	simm.s32 $0x0;
	[sflag:s3] =	ssyncadd.s32 $0xFFFF8000  }
.LBB2_2:
0x18: {  	v0 =	vld [tilespmem:$0x8000];
	_ =	sdelay $0x4  }
0x19: {  	v0 =	vadd.s32 s14, v0;
	_ =	sdelay $0x4  }
0x1a: {  	v0 =	vld.idx.msk [tilespmem:v0+s2+$0x0], $0xffff;
	_ =	sdelay $0x4  }
0x1b: {  	[tilespmem:s13+$0xFFFFFE00] =	vst v0  }
0x1c: {  	v0 =	vld [tilespmem:$0x8010];
	_ =	sdelay $0x4  }
0x1d: {  	v0 =	vadd.s32 s14, v0;
	_ =	sdelay $0x4  }
0x1e: {  	v0 =	vld.idx.msk [tilespmem:v0+s2+$0x0], $0xffff;
	_ =	sdelay $0x4  }
0x1f: {  	[tilespmem:s13+$0xFFFFFE10] =	vst v0  }
0x20: {  	v0 =	vld [tilespmem:$0x8020];
	_ =	sdelay $0x4  }
0x21: {  	v0 =	vadd.s32 s14, v0;
	_ =	sdelay $0x4  }
0x22: {  	v0 =	vld.idx.msk [tilespmem:v0+s2+$0x0], $0xffff;
	_ =	sdelay $0x4  }
0x23: {  	[tilespmem:s13+$0xFFFFFE20] =	vst v0  }
0x24: {  	v0 =	vld [tilespmem:$0x8030];
	_ =	sdelay $0x4  }
0x25: {  	v0 =	vadd.s32 s14, v0;
	_ =	sdelay $0x4  }
0x26: {  	v0 =	vld.idx.msk [tilespmem:v0+s2+$0x0], $0xffff;
	_ =	sdelay $0x4  }
0x27: {  	[tilespmem:s13+$0xFFFFFE30] =	vst v0  }
0x28: {  	v0 =	vld [tilespmem:$0x8040];
	_ =	sdelay $0x4  }
0x29: {  	v0 =	vadd.s32 s14, v0;
	_ =	sdelay $0x4  }
0x2a: {  	v0 =	vld.idx.msk [tilespmem:v0+s2+$0x0], $0xffff;
	_ =	sdelay $0x4  }
0x2b: {  	[tilespmem:s13+$0xFFFFFE40] =	vst v0  }
0x2c: {  	v0 =	vld [tilespmem:$0x8050];
	_ =	sdelay $0x4  }
0x2d: {  	v0 =	vadd.s32 s14, v0;
	_ =	sdelay $0x4  }
0x2e: {  	v0 =	vld.idx.msk [tilespmem:v0+s2+$0x0], $0xffff;
	_ =	sdelay $0x4  }
0x2f: {  	[tilespmem:s13+$0xFFFFFE50] =	vst v0  }
0x30: {  	v0 =	vld [tilespmem:$0x8060];
	_ =	sdelay $0x4  }
0x31: {  	v0 =	vadd.s32 s14, v0;
	_ =	sdelay $0x4  }
0x32: {  	v0 =	vld.idx.msk [tilespmem:v0+s2+$0x0], $0xffff;
	_ =	sdelay $0x4  }
0x33: {  	[tilespmem:s13+$0xFFFFFE60] =	vst v0  }
0x34: {  	v0 =	vld [tilespmem:$0x8070];
	_ =	sdelay $0x4  }
0x35: {  	v0 =	vadd.s32 s14, v0;
	_ =	sdelay $0x4  }
0x36: {  	v0 =	vld.idx.msk [tilespmem:v0+s2+$0x0], $0xffff;
	_ =	sdelay $0x4  }
0x37: {  	[tilespmem:s13+$0xFFFFFE70] =	vst v0  }
0x38: {  	v0 =	vld [tilespmem:$0x8080];
	_ =	sdelay $0x4  }
0x39: {  	v0 =	vadd.s32 s14, v0;
	_ =	sdelay $0x4  }
0x3a: {  	v0 =	vld.idx.msk [tilespmem:v0+s2+$0x0], $0xffff;
	_ =	sdelay $0x4  }
0x3b: {  	[tilespmem:s13+$0xFFFFFE80] =	vst v0  }
0x3c: {  	v0 =	vld [tilespmem:$0x8090];
	_ =	sdelay $0x4  }
0x3d: {  	v0 =	vadd.s32 s14, v0;
	_ =	sdelay $0x4  }
0x3e: {  	v0 =	vld.idx.msk [tilespmem:v0+s2+$0x0], $0xffff;
	_ =	sdelay $0x4  }
0x3f: {  	[tilespmem:s13+$0xFFFFFE90] =	vst v0  }
0x40: {  	v0 =	vld [tilespmem:$0x80A0];
	_ =	sdelay $0x4  }
0x41: {  	v0 =	vadd.s32 s14, v0;
	_ =	sdelay $0x4  }
0x42: {  	v0 =	vld.idx.msk [tilespmem:v0+s2+$0x0], $0xffff;
	_ =	sdelay $0x4  }
0x43: {  	[tilespmem:s13+$0xFFFFFEA0] =	vst v0  }
0x44: {  	v0 =	vld [tilespmem:$0x80B0];
	_ =	sdelay $0x4  }
0x45: {  	v0 =	vadd.s32 s14, v0;
	_ =	sdelay $0x4  }
0x46: {  	v0 =	vld.idx.msk [tilespmem:v0+s2+$0x0], $0xffff;
	_ =	sdelay $0x4  }
0x47: {  	[tilespmem:s13+$0xFFFFFEB0] =	vst v0  }
0x48: {  	v0 =	vld [tilespmem:$0x80C0];
	_ =	sdelay $0x4  }
0x49: {  	v0 =	vadd.s32 s14, v0;
	_ =	sdelay $0x4  }
0x4a: {  	v0 =	vld.idx.msk [tilespmem:v0+s2+$0x0], $0xffff;
	_ =	sdelay $0x4  }
0x4b: {  	[tilespmem:s13+$0xFFFFFEC0] =	vst v0  }
0x4c: {  	v0 =	vld [tilespmem:$0x80D0];
	_ =	sdelay $0x4  }
0x4d: {  	v0 =	vadd.s32 s14, v0;
	_ =	sdelay $0x4  }
0x4e: {  	v0 =	vld.idx.msk [tilespmem:v0+s2+$0x0], $0xffff;
	_ =	sdelay $0x4  }
0x4f: {  	[tilespmem:s13+$0xFFFFFED0] =	vst v0  }
0x50: {  	v0 =	vld [tilespmem:$0x80E0];
	_ =	sdelay $0x4  }
0x51: {  	v0 =	vadd.s32 s14, v0;
	_ =	sdelay $0x4  }
0x52: {  	v0 =	vld.idx.msk [tilespmem:v0+s2+$0x0], $0xffff;
	_ =	sdelay $0x4  }
0x53: {  	[tilespmem:s13+$0xFFFFFEE0] =	vst v0  }
0x54: {  	v0 =	vld [tilespmem:$0x80F0];
	_ =	sdelay $0x4  }
0x55: {  	v0 =	vadd.s32 s14, v0;
	_ =	sdelay $0x4  }
0x56: {  	v0 =	vld.idx.msk [tilespmem:v0+s2+$0x0], $0xffff;
	_ =	sdelay $0x4  }
0x57: {  	[tilespmem:s13+$0xFFFFFEF0] =	vst v0  }
0x58: {  	v0 =	vld [tilespmem:$0x8100];
	_ =	sdelay $0x4  }
0x59: {  	v0 =	vadd.s32 s14, v0;
	_ =	sdelay $0x4  }
0x5a: {  	v0 =	vld.idx.msk [tilespmem:v0+s2+$0x0], $0xffff;
	_ =	sdelay $0x4  }
0x5b: {  	[tilespmem:s13+$0xFFFFFF00] =	vst v0  }
0x5c: {  	v0 =	vld [tilespmem:$0x8110];
	_ =	sdelay $0x4  }
0x5d: {  	v0 =	vadd.s32 s14, v0;
	_ =	sdelay $0x4  }
0x5e: {  	v0 =	vld.idx.msk [tilespmem:v0+s2+$0x0], $0xffff;
	_ =	sdelay $0x4  }
0x5f: {  	[tilespmem:s13+$0xFFFFFF10] =	vst v0  }
0x60: {  	v0 =	vld [tilespmem:$0x8120];
	_ =	sdelay $0x4  }
0x61: {  	v0 =	vadd.s32 s14, v0;
	_ =	sdelay $0x4  }
0x62: {  	v0 =	vld.idx.msk [tilespmem:v0+s2+$0x0], $0xffff;
	_ =	sdelay $0x4  }
0x63: {  	[tilespmem:s13+$0xFFFFFF20] =	vst v0  }
0x64: {  	v0 =	vld [tilespmem:$0x8130];
	_ =	sdelay $0x4  }
0x65: {  	v0 =	vadd.s32 s14, v0;
	_ =	sdelay $0x4  }
0x66: {  	v0 =	vld.idx.msk [tilespmem:v0+s2+$0x0], $0xffff;
	_ =	sdelay $0x4  }
0x67: {  	[tilespmem:s13+$0xFFFFFF30] =	vst v0  }
0x68: {  	v0 =	vld [tilespmem:$0x8140];
	_ =	sdelay $0x4  }
0x69: {  	v0 =	vadd.s32 s14, v0;
	_ =	sdelay $0x4  }
0x6a: {  	v0 =	vld.idx.msk [tilespmem:v0+s2+$0x0], $0xffff;
	_ =	sdelay $0x4  }
0x6b: {  	[tilespmem:s13+$0xFFFFFF40] =	vst v0  }
0x6c: {  	v0 =	vld [tilespmem:$0x8150];
	_ =	sdelay $0x4  }
0x6d: {  	v0 =	vadd.s32 s14, v0;
	_ =	sdelay $0x4  }
0x6e: {  	v0 =	vld.idx.msk [tilespmem:v0+s2+$0x0], $0xffff;
	_ =	sdelay $0x4  }
0x6f: {  	[tilespmem:s13+$0xFFFFFF50] =	vst v0  }
0x70: {  	v0 =	vld [tilespmem:$0x8160];
	_ =	sdelay $0x4  }
0x71: {  	v0 =	vadd.s32 s14, v0;
	_ =	sdelay $0x4  }
0x72: {  	v0 =	vld.idx.msk [tilespmem:v0+s2+$0x0], $0xffff;
	_ =	sdelay $0x4  }
0x73: {  	[tilespmem:s13+$0xFFFFFF60] =	vst v0  }
0x74: {  	v0 =	vld [tilespmem:$0x8170];
	_ =	sdelay $0x4  }
0x75: {  	v0 =	vadd.s32 s14, v0;
	_ =	sdelay $0x4  }
0x76: {  	v0 =	vld.idx.msk [tilespmem:v0+s2+$0x0], $0xffff;
	_ =	sdelay $0x4  }
0x77: {  	[tilespmem:s13+$0xFFFFFF70] =	vst v0  }
0x78: {  	v0 =	vld [tilespmem:$0x8180];
	_ =	sdelay $0x4  }
0x79: {  	v0 =	vadd.s32 s14, v0;
	_ =	sdelay $0x4  }
0x7a: {  	v0 =	vld.idx.msk [tilespmem:v0+s2+$0x0], $0xffff;
	_ =	sdelay $0x4  }
0x7b: {  	[tilespmem:s13+$0xFFFFFF80] =	vst v0  }
0x7c: {  	v0 =	vld [tilespmem:$0x8190];
	_ =	sdelay $0x4  }
0x7d: {  	v0 =	vadd.s32 s14, v0;
	_ =	sdelay $0x4  }
0x7e: {  	v0 =	vld.idx.msk [tilespmem:v0+s2+$0x0], $0xffff;
	_ =	sdelay $0x4  }
0x7f: {  	[tilespmem:s13+$0xFFFFFF90] =	vst v0  }
0x80: {  	v0 =	vld [tilespmem:$0x81A0];
	_ =	sdelay $0x4  }
0x81: {  	v0 =	vadd.s32 s14, v0;
	_ =	sdelay $0x4  }
0x82: {  	v0 =	vld.idx.msk [tilespmem:v0+s2+$0x0], $0xffff;
	_ =	sdelay $0x4  }
0x83: {  	[tilespmem:s13+$0xFFFFFFA0] =	vst v0  }
0x84: {  	v0 =	vld [tilespmem:$0x81B0];
	_ =	sdelay $0x4  }
0x85: {  	v0 =	vadd.s32 s14, v0;
	_ =	sdelay $0x4  }
0x86: {  	v0 =	vld.idx.msk [tilespmem:v0+s2+$0x0], $0xffff;
	_ =	sdelay $0x4  }
0x87: {  	[tilespmem:s13+$0xFFFFFFB0] =	vst v0  }
0x88: {  	v0 =	vld [tilespmem:$0x81C0];
	_ =	sdelay $0x4  }
0x89: {  	v0 =	vadd.s32 s14, v0;
	_ =	sdelay $0x4  }
0x8a: {  	v0 =	vld.idx.msk [tilespmem:v0+s2+$0x0], $0xffff;
	_ =	sdelay $0x4  }
0x8b: {  	[tilespmem:s13+$0xFFFFFFC0] =	vst v0  }
0x8c: {  	v0 =	vld [tilespmem:$0x81D0];
	_ =	sdelay $0x4  }
0x8d: {  	v0 =	vadd.s32 s14, v0;
	_ =	sdelay $0x4  }
0x8e: {  	v0 =	vld.idx.msk [tilespmem:v0+s2+$0x0], $0xffff;
	_ =	sdelay $0x4  }
0x8f: {  	[tilespmem:s13+$0xFFFFFFD0] =	vst v0  }
0x90: {  	v0 =	vld [tilespmem:$0x81E0];
	_ =	sdelay $0x4  }
0x91: {  	v0 =	vadd.s32 s14, v0;
	_ =	sdelay $0x4  }
0x92: {  	v0 =	vld.idx.msk [tilespmem:v0+s2+$0x0], $0xffff;
	_ =	sdelay $0x4  }
0x93: {  	[tilespmem:s13+$0xFFFFFFE0] =	vst v0  }
0x94: {  	v0 =	vld [tilespmem:$0x81F0];
	_ =	sdelay $0x4  }
0x95: {  	v0 =	vadd.s32 s14, v0;
	_ =	sdelay $0x4  }
0x96: {  	v0 =	vld.idx.msk [tilespmem:v0+s2+$0x0], $0xffff;
	_ =	sdelay $0x4  }
0x97: {  	[tilespmem:s13+$0xFFFFFFF0] =	vst v0  }
0x98: {  	v0 =	vld [tilespmem:$0x8200];
	_ =	sdelay $0x4  }
0x99: {  	v0 =	vadd.s32 s14, v0;
	_ =	sdelay $0x4  }
0x9a: {  	v0 =	vld.idx.msk [tilespmem:v0+s2+$0x0], $0xffff;
	_ =	sdelay $0x4  }
0x9b: {  	[tilespmem:s13+$0x0] =	vst v0  }
0x9c: {  	v0 =	vld [tilespmem:$0x8210];
	_ =	sdelay $0x4  }
0x9d: {  	v0 =	vadd.s32 s14, v0;
	_ =	sdelay $0x4  }
0x9e: {  	v0 =	vld.idx.msk [tilespmem:v0+s2+$0x0], $0xffff;
	_ =	sdelay $0x4  }
0x9f: {  	[tilespmem:s13+$0x10] =	vst v0  }
0xa0: {  	v0 =	vld [tilespmem:$0x8220];
	_ =	sdelay $0x4  }
0xa1: {  	v0 =	vadd.s32 s14, v0;
	_ =	sdelay $0x4  }
0xa2: {  	v0 =	vld.idx.msk [tilespmem:v0+s2+$0x0], $0xffff;
	_ =	sdelay $0x4  }
0xa3: {  	[tilespmem:s13+$0x20] =	vst v0  }
0xa4: {  	v0 =	vld [tilespmem:$0x8230];
	_ =	sdelay $0x4  }
0xa5: {  	v0 =	vadd.s32 s14, v0;
	_ =	sdelay $0x4  }
0xa6: {  	v0 =	vld.idx.msk [tilespmem:v0+s2+$0x0], $0xffff;
	_ =	sdelay $0x4  }
0xa7: {  	[tilespmem:s13+$0x30] =	vst v0  }
0xa8: {  	v0 =	vld [tilespmem:$0x8240];
	_ =	sdelay $0x4  }
0xa9: {  	v0 =	vadd.s32 s14, v0;
	_ =	sdelay $0x4  }
0xaa: {  	v0 =	vld.idx.msk [tilespmem:v0+s2+$0x0], $0xffff;
	_ =	sdelay $0x4  }
0xab: {  	[tilespmem:s13+$0x40] =	vst v0  }
0xac: {  	v0 =	vld [tilespmem:$0x8250];
	_ =	sdelay $0x4  }
0xad: {  	v0 =	vadd.s32 s14, v0;
	_ =	sdelay $0x4  }
0xae: {  	v0 =	vld.idx.msk [tilespmem:v0+s2+$0x0], $0xffff;
	_ =	sdelay $0x4  }
0xaf: {  	[tilespmem:s13+$0x50] =	vst v0  }
0xb0: {  	v0 =	vld [tilespmem:$0x8260];
	_ =	sdelay $0x4  }
0xb1: {  	v0 =	vadd.s32 s14, v0;
	_ =	sdelay $0x4  }
0xb2: {  	v0 =	vld.idx.msk [tilespmem:v0+s2+$0x0], $0xffff;
	_ =	sdelay $0x4  }
0xb3: {  	[tilespmem:s13+$0x60] =	vst v0  }
0xb4: {  	v0 =	vld [tilespmem:$0x8270];
	_ =	sdelay $0x4  }
0xb5: {  	v0 =	vadd.s32 s14, v0;
	_ =	sdelay $0x4  }
0xb6: {  	v0 =	vld.idx.msk [tilespmem:v0+s2+$0x0], $0xffff;
	_ =	sdelay $0x4  }
0xb7: {  	[tilespmem:s13+$0x70] =	vst v0  }
0xb8: {  	v0 =	vld [tilespmem:$0x8280];
	_ =	sdelay $0x4  }
0xb9: {  	v0 =	vadd.s32 s14, v0;
	_ =	sdelay $0x4  }
0xba: {  	v0 =	vld.idx.msk [tilespmem:v0+s2+$0x0], $0xffff;
	_ =	sdelay $0x4  }
0xbb: {  	[tilespmem:s13+$0x80] =	vst v0  }
0xbc: {  	v0 =	vld [tilespmem:$0x8290];
	_ =	sdelay $0x4  }
0xbd: {  	v0 =	vadd.s32 s14, v0;
	_ =	sdelay $0x4  }
0xbe: {  	v0 =	vld.idx.msk [tilespmem:v0+s2+$0x0], $0xffff;
	_ =	sdelay $0x4  }
0xbf: {  	[tilespmem:s13+$0x90] =	vst v0  }
0xc0: {  	v0 =	vld [tilespmem:$0x82A0];
	_ =	sdelay $0x4  }
0xc1: {  	v0 =	vadd.s32 s14, v0;
	_ =	sdelay $0x4  }
0xc2: {  	v0 =	vld.idx.msk [tilespmem:v0+s2+$0x0], $0xffff;
	_ =	sdelay $0x4  }
0xc3: {  	[tilespmem:s13+$0xA0] =	vst v0  }
0xc4: {  	v0 =	vld [tilespmem:$0x82B0];
	_ =	sdelay $0x4  }
0xc5: {  	v0 =	vadd.s32 s14, v0;
	_ =	sdelay $0x4  }
0xc6: {  	v0 =	vld.idx.msk [tilespmem:v0+s2+$0x0], $0xffff;
	_ =	sdelay $0x4  }
0xc7: {  	[tilespmem:s13+$0xB0] =	vst v0  }
0xc8: {  	v0 =	vld [tilespmem:$0x82C0];
	_ =	sdelay $0x4  }
0xc9: {  	v0 =	vadd.s32 s14, v0;
	_ =	sdelay $0x4  }
0xca: {  	v0 =	vld.idx.msk [tilespmem:v0+s2+$0x0], $0xffff;
	_ =	sdelay $0x4  }
0xcb: {  	[tilespmem:s13+$0xC0] =	vst v0  }
0xcc: {  	v0 =	vld [tilespmem:$0x82D0];
	_ =	sdelay $0x4  }
0xcd: {  	v0 =	vadd.s32 s14, v0;
	_ =	sdelay $0x4  }
0xce: {  	v0 =	vld.idx.msk [tilespmem:v0+s2+$0x0], $0xffff;
	_ =	sdelay $0x4  }
0xcf: {  	[tilespmem:s13+$0xD0] =	vst v0  }
0xd0: {  	v0 =	vld [tilespmem:$0x82E0];
	_ =	sdelay $0x4  }
0xd1: {  	v0 =	vadd.s32 s14, v0;
	_ =	sdelay $0x4  }
0xd2: {  	v0 =	vld.idx.msk [tilespmem:v0+s2+$0x0], $0xffff;
	_ =	sdelay $0x4  }
0xd3: {  	[tilespmem:s13+$0xE0] =	vst v0  }
0xd4: {  	v0 =	vld [tilespmem:$0x82F0];
	_ =	sdelay $0x4  }
0xd5: {  	v0 =	vadd.s32 s14, v0;
	_ =	sdelay $0x4  }
0xd6: {  	v0 =	vld.idx.msk [tilespmem:v0+s2+$0x0], $0xffff;
	_ =	sdelay $0x4  }
0xd7: {  	[tilespmem:s13+$0xF0] =	vst v0  }
0xd8: {  	v0 =	vld [tilespmem:$0x8300];
	_ =	sdelay $0x4  }
0xd9: {  	v0 =	vadd.s32 s14, v0;
	_ =	sdelay $0x4  }
0xda: {  	v0 =	vld.idx.msk [tilespmem:v0+s2+$0x0], $0xffff;
	_ =	sdelay $0x4  }
0xdb: {  	[tilespmem:s13+$0x100] =	vst v0  }
0xdc: {  	v0 =	vld [tilespmem:$0x8310];
	_ =	sdelay $0x4  }
0xdd: {  	v0 =	vadd.s32 s14, v0;
	_ =	sdelay $0x4  }
0xde: {  	v0 =	vld.idx.msk [tilespmem:v0+s2+$0x0], $0xffff;
	_ =	sdelay $0x4  }
0xdf: {  	[tilespmem:s13+$0x110] =	vst v0  }
0xe0: {  	v0 =	vld [tilespmem:$0x8320];
	_ =	sdelay $0x4  }
0xe1: {  	v0 =	vadd.s32 s14, v0;
	_ =	sdelay $0x4  }
0xe2: {  	v0 =	vld.idx.msk [tilespmem:v0+s2+$0x0], $0xffff;
	_ =	sdelay $0x4  }
0xe3: {  	[tilespmem:s13+$0x120] =	vst v0  }
0xe4: {  	v0 =	vld [tilespmem:$0x8330];
	_ =	sdelay $0x4  }
0xe5: {  	v0 =	vadd.s32 s14, v0;
	_ =	sdelay $0x4  }
0xe6: {  	v0 =	vld.idx.msk [tilespmem:v0+s2+$0x0], $0xffff;
	_ =	sdelay $0x4  }
0xe7: {  	[tilespmem:s13+$0x130] =	vst v0  }
0xe8: {  	v0 =	vld [tilespmem:$0x8340];
	_ =	sdelay $0x4  }
0xe9: {  	v0 =	vadd.s32 s14, v0;
	_ =	sdelay $0x4  }
0xea: {  	v0 =	vld.idx.msk [tilespmem:v0+s2+$0x0], $0xffff;
	_ =	sdelay $0x4  }
0xeb: {  	[tilespmem:s13+$0x140] =	vst v0  }
0xec: {  	v0 =	vld [tilespmem:$0x8350];
	_ =	sdelay $0x4  }
0xed: {  	v0 =	vadd.s32 s14, v0;
	_ =	sdelay $0x4  }
0xee: {  	v0 =	vld.idx.msk [tilespmem:v0+s2+$0x0], $0xffff;
	_ =	sdelay $0x4  }
0xef: {  	[tilespmem:s13+$0x150] =	vst v0  }
0xf0: {  	v0 =	vld [tilespmem:$0x8360];
	_ =	sdelay $0x4  }
0xf1: {  	v0 =	vadd.s32 s14, v0;
	_ =	sdelay $0x4  }
0xf2: {  	v0 =	vld.idx.msk [tilespmem:v0+s2+$0x0], $0xffff;
	_ =	sdelay $0x4  }
0xf3: {  	[tilespmem:s13+$0x160] =	vst v0  }
0xf4: {  	v0 =	vld [tilespmem:$0x8370];
	_ =	sdelay $0x4  }
0xf5: {  	v0 =	vadd.s32 s14, v0;
	_ =	sdelay $0x4  }
0xf6: {  	v0 =	vld.idx.msk [tilespmem:v0+s2+$0x0], $0xffff;
	_ =	sdelay $0x4  }
0xf7: {  	[tilespmem:s13+$0x170] =	vst v0  }
0xf8: {  	v0 =	vld [tilespmem:$0x8380];
	_ =	sdelay $0x4  }
0xf9: {  	v0 =	vadd.s32 s14, v0;
	_ =	sdelay $0x4  }
0xfa: {  	v0 =	vld.idx.msk [tilespmem:v0+s2+$0x0], $0xffff;
	_ =	sdelay $0x4  }
0xfb: {  	[tilespmem:s13+$0x180] =	vst v0  }
0xfc: {  	v0 =	vld [tilespmem:$0x8390];
	_ =	sdelay $0x4  }
0xfd: {  	v0 =	vadd.s32 s14, v0;
	_ =	sdelay $0x4  }
0xfe: {  	v0 =	vld.idx.msk [tilespmem:v0+s2+$0x0], $0xffff;
	_ =	sdelay $0x4  }
0xff: {  	[tilespmem:s13+$0x190] =	vst v0  }
0x100: {  	v0 =	vld [tilespmem:$0x83A0];
	_ =	sdelay $0x4  }
0x101: {  	v0 =	vadd.s32 s14, v0;
	_ =	sdelay $0x4  }
0x102: {  	v0 =	vld.idx.msk [tilespmem:v0+s2+$0x0], $0xffff;
	_ =	sdelay $0x4  }
0x103: {  	[tilespmem:s13+$0x1A0] =	vst v0  }
0x104: {  	v0 =	vld [tilespmem:$0x83B0];
	_ =	sdelay $0x4  }
0x105: {  	v0 =	vadd.s32 s14, v0;
	_ =	sdelay $0x4  }
0x106: {  	v0 =	vld.idx.msk [tilespmem:v0+s2+$0x0], $0xffff;
	_ =	sdelay $0x4  }
0x107: {  	[tilespmem:s13+$0x1B0] =	vst v0  }
0x108: {  	v0 =	vld [tilespmem:$0x83C0];
	_ =	sdelay $0x4  }
0x109: {  	v0 =	vadd.s32 s14, v0;
	_ =	sdelay $0x4  }
0x10a: {  	v0 =	vld.idx.msk [tilespmem:v0+s2+$0x0], $0xffff;
	_ =	sdelay $0x4  }
0x10b: {  	[tilespmem:s13+$0x1C0] =	vst v0  }
0x10c: {  	v0 =	vld [tilespmem:$0x83D0];
	_ =	sdelay $0x4  }
0x10d: {  	v0 =	vadd.s32 s14, v0;
	_ =	sdelay $0x4  }
0x10e: {  	v0 =	vld.idx.msk [tilespmem:v0+s2+$0x0], $0xffff;
	_ =	sdelay $0x4  }
0x10f: {  	[tilespmem:s13+$0x1D0] =	vst v0  }
0x110: {  	v0 =	vld [tilespmem:$0x83E0];
	_ =	sdelay $0x4  }
0x111: {  	v0 =	vadd.s32 s14, v0;
	_ =	sdelay $0x4  }
0x112: {  	v0 =	vld.idx.msk [tilespmem:v0+s2+$0x0], $0xffff;
	_ =	sdelay $0x4  }
0x113: {  	[tilespmem:s13+$0x1E0] =	vst v0  }
0x114: {  	v0 =	vld [tilespmem:$0x83F0];
	_ =	sdelay $0x4  }
0x115: {  	v0 =	vadd.s32 s14, v0;
	_ =	sdelay $0x4  }
0x116: {  	p0 =	sne.s32 s14, $0x7C00;
	v0 =	vld.idx.msk [tilespmem:v0+s2+$0x0], $0xffff  }
.Ltmp0:
0x117: {  	_ = 	snop;
	(pc) =	sbr.rel @p0 .LBB2_2-.Ltmp0, $2  }
0x118: {  	_ =	sdelay $0x2  }
0x119: {  	s14 =	sadd.s32 $0x400, s14;
	[tilespmem:s13+$0x1F0] =	vst v0;
	s13 =	sadd.s32 $0x400, s13  }
0x11a: {  	s12 =	sadd.s32 $0x1, s12  }
0x11b: {  	p0 =	sne.s32 s12, s7  }
.Ltmp1:
0x11c: {  	_ = 	snop;
	(pc) =	sbr.rel @p0 .LBB2_1-.Ltmp1, $4  }
0x11d: {  	[hbm4b:s6+s2] =	stream.linear.scatter [tilespmem:s11], [sflag:$0x1], $0x8000, $0x38;
	[tilespmem:$0x10400] =	vst v63  }
0x11e: {  	_ =	swait.ge [sflag:s3], $0x8000  }
0x11f: {  	[sflag:s3] =	ssyncset.done $0x0  }
0x120: {  	[sflag:s3] =	ssyncadd.s32 $0xFFFF8000  }
0x121: {  	_ =	sfence.sel $0x180000  }
0x122: {  	[bflag:$0x0] =	sbarrier.arrive $0xFFFF  }
0x123: {  	p0 =	sne.s32 s0, $0x0;
	_ =	strace $0x90000047  }
0x124: {  	s0 =	sadd.s32 @!p0 $0x100000, s1;
	[bflag:$0x2] =	sbarrier.arrive $0xFFFF  }
0x125: {  	[sflag:s0] =	ssyncadd.tile.s32 @!p0 $0x1;
	_ =	shalt  }
.Lfunc_end2:
_tile_overlayer_lowered:
.L_overlay_start_2:
0x126: {  	(tag) =	ssettag $0x2  }
0x127: {  	s0 =	rddreg [dreg:$0x0];
	s2 =	stileid.u32  }
0x128: {  	s1 =	rddreg [dreg:$0x1];
	p0 =	sne.s32 s2, $0x0  }
0x129: {  	s3 =	rddreg [dreg:$0x2];
	[bflag:$0x3] =	sbarrier.arrive $0xFFFF;
	s2 =	simm.s32 @!p0 $0x1C01  }
0x12a: {  	[timem:s3], [sflag:s2] =	dma.local @!p0 [hbm:s0], s1  }
0x12b: {  	s0 =	simm.s32 @!p0 $0x1  }
0x12c: {  	_ =	swait.ge @!p0 [sflag:s0], s1  }
0x12d: {  	s1 =	ssub.s32 @!p0 $0x0, s1;
	[sflag:s0] =	ssyncset.done @!p0 $0x0  }
0x12e: {  	[sflag:s0] =	ssyncadd.s32 @!p0 s1  }
0x12f: {  	[bflag:$0x3] =	sbarrier.arrive $0xFFFF  }
0x130: {  	_ =	shalt  }

</sc_bundles>
